<compile_context>
chip_gen: v7x
topology: tpu7x:2x2x1
jax: 0.10.2.dev20260603
libtpu: 0.0.44.dev20260713+nightly
codegen_flags: <defaults>
</compile_context>

<pallas_src>
import functools

import jax
import jax.numpy as jnp
from jax import lax
from jax.experimental import pallas as pl
from jax.experimental.pallas import tpu as pltpu
from jax.experimental.pallas import tpu_sc as plsc

BATCH, SEQ, EMBED = 32, 2048, 32
_LANES = 16

_info = plsc.get_sparse_core_info()
_NC, _NS = _info.num_cores, _info.num_subcores
_NW = _NC * _NS

CHUNK = 1024
NCHUNK = SEQ // CHUNK
GSUB = 128
NG = CHUNK // GSUB


def _emb_body(x_hbm, tok_hbm, pos_hbm, out_hbm, idx_v, buf_v, pos_v,
              gsem, psem):
    w = lax.axis_index("s") * _NC + lax.axis_index("c")
    pltpu.sync_copy(x_hbm.at[w], idx_v)

    for c in range(NCHUNK):
        off = c * CHUNK
        pcp = pltpu.async_copy(pos_hbm.at[pl.ds(off, CHUNK)], pos_v, psem)
        cps = []
        for j in range(NG):
            cps.append(pltpu.async_copy(
                tok_hbm.at[idx_v.at[pl.ds(off + j * GSUB, GSUB)]],
                buf_v.at[pl.ds(j * GSUB, GSUB)],
                gsem))
        for cp in cps:
            cp.wait()
        pcp.wait()

        def add_row(i, carry):
            lo = pl.ds(0, _LANES)
            hi = pl.ds(_LANES, _LANES)
            plsc.addupdate(buf_v.at[i, lo], pos_v[i, lo])
            plsc.addupdate(buf_v.at[i, hi], pos_v[i, hi])
            return carry

        lax.fori_loop(0, CHUNK, add_row, 0)

        pltpu.sync_copy(buf_v, out_hbm.at[w, pl.ds(off, CHUNK)])


_mesh = plsc.VectorSubcoreMesh(core_axis_name="c", subcore_axis_name="s")

_emb = functools.partial(
    pl.kernel,
    mesh=_mesh,
    out_type=jax.ShapeDtypeStruct((BATCH, SEQ, EMBED), jnp.float32),
    compiler_params=pltpu.CompilerParams(use_tc_tiling_on_sc=False),
    scratch_types=[
        pltpu.VMEM((SEQ,), jnp.int32),
        pltpu.VMEM((CHUNK, EMBED), jnp.float32),
        pltpu.VMEM((CHUNK, EMBED), jnp.float32),
        pltpu.SemaphoreType.DMA,
        pltpu.SemaphoreType.DMA,
    ],
)(_emb_body)


def kernel(x, token_table, pos_table):
    return _emb(x.astype(jnp.int32), token_table, pos_table)

# --- scband reference (transcript-rebuilt; emitter-appended) ---
"""Pipeline reference for scband-token-and-position-embedding-8675833938698 (READ-ONLY COPY).

The authoritative reference and input builder live on the scoring server;
editing this copy changes nothing except your own understanding.
"""

import jax, jax.numpy as jnp
import numpy as np

VOCAB = 1000000
MAXLEN = 2048
EMBED = 32
BATCH = 32
SEQ = 2048

def setup_inputs(seed: int = 0) -> dict:
    key = jax.random.key(seed)
    k1, k2, k3 = jax.random.split(key, 3)
    x = jax.random.randint(k1, (BATCH, SEQ), 0, VOCAB, dtype=jnp.int64 if jax.config.jax_enable_x64 else jnp.int32)
    token_table = jax.random.normal(k2, (VOCAB, EMBED), dtype=jnp.float32) * 0.05
    pos_table = jax.random.normal(k3, (MAXLEN, EMBED), dtype=jnp.float32) * 0.05
    return {"x": x, "token_table": token_table, "pos_table": pos_table}

def reference(x, token_table, pos_table):
    # maxlen = shape(x)[-1]
    L = x.shape[-1]
    positions = jnp.arange(0, L, 1)
    pos = jnp.take(pos_table, positions, axis=0)          # [L, E]
    tok = jnp.take(token_table, x, axis=0)                # [B, L, E]
    return tok + pos[None, :, :]

if __name__ == "__main__":
    import jax
    _d = setup_inputs()
    print(jax.jit(kernel)(*tuple(_d.values())))

</pallas_src>

<mosaic_0001>
#map = affine_map<(d0, d1) -> (0, 0)>
#map1 = affine_map<(d0, d1) -> (0, 0, 0)>
module attributes {stable_mosaic.version = 14 : i64} {
  func.func @_emb_body(%arg0: i32, %arg1: i32, %arg2: memref<32x2048xi32, #tpu.memory_space<hbm>>, %arg3: memref<1000000x32xf32, #tpu.memory_space<hbm>>, %arg4: memref<2048x32xf32, #tpu.memory_space<hbm>>, %arg5: memref<32x2048x32xf32, #tpu.memory_space<hbm>>, %arg6: memref<2048xi32, #tpu.memory_space<vmem>>, %arg7: memref<1024x32xf32, #tpu.memory_space<vmem>>, %arg8: memref<1024x32xf32, #tpu.memory_space<vmem>>, %arg9: memref<!tpu.dma_semaphore, #tpu.memory_space<semaphore_mem>>, %arg10: memref<!tpu.dma_semaphore, #tpu.memory_space<semaphore_mem>>) attributes {dimension_semantics = [#tpu.dimension_semantics<core_parallel>, #tpu.dimension_semantics<subcore_parallel>], iteration_bounds = array<i64: 2, 16>, scalar_prefetch = 0 : i64, scratch_operands = 5 : i64, tpu.core_type = #tpu.core_type<sc_vector_subcore>, window_params = [{transform_indices = #map}, {transform_indices = #map}, {transform_indices = #map}, {transform_indices = #map1}]} {
    %mul3A = arith.constant 2 : i32
    %mul3A_0 = arith.muli %arg1, %mul3A : i32
    %add3A = arith.addi %mul3A_0, %arg0 : i32
    "tpu.region"() ({
      %run_scoped3A = tpu.sem_alloc : memref<!tpu.dma_semaphore, #tpu.memory_space<semaphore_mem>>
      %dma_start3A_290 = arith.constant 0 : i32
      %dma_start3A_291 = tpu.memref_slice %arg2[%add3A, %dma_start3A_290] : memref<32x2048xi32, #tpu.memory_space<hbm>> -> memref<1x2048xi32, #tpu.memory_space<hbm>>
      %dma_start3A_292 = tpu.memref_squeeze %dma_start3A_291 : memref<1x2048xi32, #tpu.memory_space<hbm>> -> memref<2048xi32, #tpu.memory_space<hbm>>
      %dma_start3A_293 = arith.constant 0 : i32
      %dma_start3A_294 = tpu.memref_slice %arg2[%add3A, %dma_start3A_293] : memref<32x2048xi32, #tpu.memory_space<hbm>> -> memref<1x2048xi32, #tpu.memory_space<hbm>>
      %dma_start3A_295 = tpu.memref_squeeze %dma_start3A_294 : memref<1x2048xi32, #tpu.memory_space<hbm>> -> memref<2048xi32, #tpu.memory_space<hbm>>
      tpu.enqueue_dma source(%dma_start3A_295 : memref<2048xi32, #tpu.memory_space<hbm>>) target(%arg6 : memref<2048xi32, #tpu.memory_space<vmem>>) target_semaphore(%run_scoped3A : memref<!tpu.dma_semaphore, #tpu.memory_space<semaphore_mem>>)
      %dma_wait3A_296 = arith.constant 0 : i32
      %dma_wait3A_297 = tpu.memref_slice %arg2[%add3A, %dma_wait3A_296] : memref<32x2048xi32, #tpu.memory_space<hbm>> -> memref<1x2048xi32, #tpu.memory_space<hbm>>
      %dma_wait3A_298 = tpu.memref_squeeze %dma_wait3A_297 : memref<1x2048xi32, #tpu.memory_space<hbm>> -> memref<2048xi32, #tpu.memory_space<hbm>>
      %dma_wait3A_299 = arith.constant 0 : i32
      %dma_wait3A_300 = tpu.memref_slice %arg2[%add3A, %dma_wait3A_299] : memref<32x2048xi32, #tpu.memory_space<hbm>> -> memref<1x2048xi32, #tpu.memory_space<hbm>>
      %dma_wait3A_301 = tpu.memref_squeeze %dma_wait3A_300 : memref<1x2048xi32, #tpu.memory_space<hbm>> -> memref<2048xi32, #tpu.memory_space<hbm>>
      tpu.wait_dma2 semaphore(%run_scoped3A : memref<!tpu.dma_semaphore, #tpu.memory_space<semaphore_mem>>) src(%dma_wait3A_301 : memref<2048xi32, #tpu.memory_space<hbm>>) dst(%arg6 : memref<2048xi32, #tpu.memory_space<vmem>>)
      tpu.yield
    }) : () -> ()
    %dma_start3A = arith.constant 0 : i32
    %dma_start3A_1 = arith.constant 0 : i32
    %dma_start3A_2 = tpu.memref_slice %arg4[%dma_start3A, %dma_start3A_1] : memref<2048x32xf32, #tpu.memory_space<hbm>> -> memref<1024x32xf32, #tpu.memory_space<hbm>>
    %dma_start3A_3 = arith.constant 0 : i32
    %dma_start3A_4 = arith.constant 0 : i32
    %dma_start3A_5 = tpu.memref_slice %arg4[%dma_start3A_3, %dma_start3A_4] : memref<2048x32xf32, #tpu.memory_space<hbm>> -> memref<1024x32xf32, #tpu.memory_space<hbm>>
    tpu.enqueue_dma source(%dma_start3A_5 : memref<1024x32xf32, #tpu.memory_space<hbm>>) target(%arg8 : memref<1024x32xf32, #tpu.memory_space<vmem>>) target_semaphore(%arg10 : memref<!tpu.dma_semaphore, #tpu.memory_space<semaphore_mem>>)
    %dma_start3A_6 = arith.constant 0 : i32
    %dma_start3A_7 = arith.constant 0 : i32
    %dma_start3A_8 = tpu.memref_slice %arg7[%dma_start3A_6, %dma_start3A_7] : memref<1024x32xf32, #tpu.memory_space<vmem>> -> memref<128x32xf32, #tpu.memory_space<vmem>>
    %dma_start3A_9 = arith.constant 0 : i32
    %dma_start3A_10 = tpu.memref_slice %arg6[%dma_start3A_9] : memref<2048xi32, #tpu.memory_space<vmem>> -> memref<128xi32, #tpu.memory_space<vmem>>
    %dma_start3A_11 = arith.constant 0 : i32
    %dma_start3A_12 = arith.constant 0 : i32
    %dma_start3A_13 = tpu.memref_slice %arg3[%dma_start3A_11, %dma_start3A_12] : memref<1000000x32xf32, #tpu.memory_space<hbm>> -> memref<1000000x32xf32, #tpu.memory_space<hbm>>
    tpu.enqueue_indirect_dma source(%dma_start3A_13 : memref<1000000x32xf32, #tpu.memory_space<hbm>>) target(%dma_start3A_8 : memref<128x32xf32, #tpu.memory_space<vmem>>) offsets(%dma_start3A_10 : memref<128xi32, #tpu.memory_space<vmem>>) semaphore(%arg9 : memref<!tpu.dma_semaphore, #tpu.memory_space<semaphore_mem>>)
    %dma_start3A_14 = arith.constant 128 : i32
    %dma_start3A_15 = arith.constant 0 : i32
    %dma_start3A_16 = tpu.memref_slice %arg7[%dma_start3A_14, %dma_start3A_15] : memref<1024x32xf32, #tpu.memory_space<vmem>> -> memref<128x32xf32, #tpu.memory_space<vmem>>
    %dma_start3A_17 = arith.constant 128 : i32
    %dma_start3A_18 = tpu.memref_slice %arg6[%dma_start3A_17] : memref<2048xi32, #tpu.memory_space<vmem>> -> memref<128xi32, #tpu.memory_space<vmem>>
    %dma_start3A_19 = arith.constant 0 : i32
    %dma_start3A_20 = arith.constant 0 : i32
    %dma_start3A_21 = tpu.memref_slice %arg3[%dma_start3A_19, %dma_start3A_20] : memref<1000000x32xf32, #tpu.memory_space<hbm>> -> memref<1000000x32xf32, #tpu.memory_space<hbm>>
    tpu.enqueue_indirect_dma source(%dma_start3A_21 : memref<1000000x32xf32, #tpu.memory_space<hbm>>) target(%dma_start3A_16 : memref<128x32xf32, #tpu.memory_space<vmem>>) offsets(%dma_start3A_18 : memref<128xi32, #tpu.memory_space<vmem>>) semaphore(%arg9 : memref<!tpu.dma_semaphore, #tpu.memory_space<semaphore_mem>>)
    %dma_start3A_22 = arith.constant 256 : i32
    %dma_start3A_23 = arith.constant 0 : i32
    %dma_start3A_24 = tpu.memref_slice %arg7[%dma_start3A_22, %dma_start3A_23] : memref<1024x32xf32, #tpu.memory_space<vmem>> -> memref<128x32xf32, #tpu.memory_space<vmem>>
    %dma_start3A_25 = arith.constant 256 : i32
    %dma_start3A_26 = tpu.memref_slice %arg6[%dma_start3A_25] : memref<2048xi32, #tpu.memory_space<vmem>> -> memref<128xi32, #tpu.memory_space<vmem>>
    %dma_start3A_27 = arith.constant 0 : i32
    %dma_start3A_28 = arith.constant 0 : i32
    %dma_start3A_29 = tpu.memref_slice %arg3[%dma_start3A_27, %dma_start3A_28] : memref<1000000x32xf32, #tpu.memory_space<hbm>> -> memref<1000000x32xf32, #tpu.memory_space<hbm>>
    tpu.enqueue_indirect_dma source(%dma_start3A_29 : memref<1000000x32xf32, #tpu.memory_space<hbm>>) target(%dma_start3A_24 : memref<128x32xf32, #tpu.memory_space<vmem>>) offsets(%dma_start3A_26 : memref<128xi32, #tpu.memory_space<vmem>>) semaphore(%arg9 : memref<!tpu.dma_semaphore, #tpu.memory_space<semaphore_mem>>)
    %dma_start3A_30 = arith.constant 384 : i32
    %dma_start3A_31 = arith.constant 0 : i32
    %dma_start3A_32 = tpu.memref_slice %arg7[%dma_start3A_30, %dma_start3A_31] : memref<1024x32xf32, #tpu.memory_space<vmem>> -> memref<128x32xf32, #tpu.memory_space<vmem>>
    %dma_start3A_33 = arith.constant 384 : i32
    %dma_start3A_34 = tpu.memref_slice %arg6[%dma_start3A_33] : memref<2048xi32, #tpu.memory_space<vmem>> -> memref<128xi32, #tpu.memory_space<vmem>>
    %dma_start3A_35 = arith.constant 0 : i32
    %dma_start3A_36 = arith.constant 0 : i32
    %dma_start3A_37 = tpu.memref_slice %arg3[%dma_start3A_35, %dma_start3A_36] : memref<1000000x32xf32, #tpu.memory_space<hbm>> -> memref<1000000x32xf32, #tpu.memory_space<hbm>>
    tpu.enqueue_indirect_dma source(%dma_start3A_37 : memref<1000000x32xf32, #tpu.memory_space<hbm>>) target(%dma_start3A_32 : memref<128x32xf32, #tpu.memory_space<vmem>>) offsets(%dma_start3A_34 : memref<128xi32, #tpu.memory_space<vmem>>) semaphore(%arg9 : memref<!tpu.dma_semaphore, #tpu.memory_space<semaphore_mem>>)
    %dma_start3A_38 = arith.constant 512 : i32
    %dma_start3A_39 = arith.constant 0 : i32
    %dma_start3A_40 = tpu.memref_slice %arg7[%dma_start3A_38, %dma_start3A_39] : memref<1024x32xf32, #tpu.memory_space<vmem>> -> memref<128x32xf32, #tpu.memory_space<vmem>>
    %dma_start3A_41 = arith.constant 512 : i32
    %dma_start3A_42 = tpu.memref_slice %arg6[%dma_start3A_41] : memref<2048xi32, #tpu.memory_space<vmem>> -> memref<128xi32, #tpu.memory_space<vmem>>
    %dma_start3A_43 = arith.constant 0 : i32
    %dma_start3A_44 = arith.constant 0 : i32
    %dma_start3A_45 = tpu.memref_slice %arg3[%dma_start3A_43, %dma_start3A_44] : memref<1000000x32xf32, #tpu.memory_space<hbm>> -> memref<1000000x32xf32, #tpu.memory_space<hbm>>
    tpu.enqueue_indirect_dma source(%dma_start3A_45 : memref<1000000x32xf32, #tpu.memory_space<hbm>>) target(%dma_start3A_40 : memref<128x32xf32, #tpu.memory_space<vmem>>) offsets(%dma_start3A_42 : memref<128xi32, #tpu.memory_space<vmem>>) semaphore(%arg9 : memref<!tpu.dma_semaphore, #tpu.memory_space<semaphore_mem>>)
    %dma_start3A_46 = arith.constant 640 : i32
    %dma_start3A_47 = arith.constant 0 : i32
    %dma_start3A_48 = tpu.memref_slice %arg7[%dma_start3A_46, %dma_start3A_47] : memref<1024x32xf32, #tpu.memory_space<vmem>> -> memref<128x32xf32, #tpu.memory_space<vmem>>
    %dma_start3A_49 = arith.constant 640 : i32
    %dma_start3A_50 = tpu.memref_slice %arg6[%dma_start3A_49] : memref<2048xi32, #tpu.memory_space<vmem>> -> memref<128xi32, #tpu.memory_space<vmem>>
    %dma_start3A_51 = arith.constant 0 : i32
    %dma_start3A_52 = arith.constant 0 : i32
    %dma_start3A_53 = tpu.memref_slice %arg3[%dma_start3A_51, %dma_start3A_52] : memref<1000000x32xf32, #tpu.memory_space<hbm>> -> memref<1000000x32xf32, #tpu.memory_space<hbm>>
    tpu.enqueue_indirect_dma source(%dma_start3A_53 : memref<1000000x32xf32, #tpu.memory_space<hbm>>) target(%dma_start3A_48 : memref<128x32xf32, #tpu.memory_space<vmem>>) offsets(%dma_start3A_50 : memref<128xi32, #tpu.memory_space<vmem>>) semaphore(%arg9 : memref<!tpu.dma_semaphore, #tpu.memory_space<semaphore_mem>>)
    %dma_start3A_54 = arith.constant 768 : i32
    %dma_start3A_55 = arith.constant 0 : i32
    %dma_start3A_56 = tpu.memref_slice %arg7[%dma_start3A_54, %dma_start3A_55] : memref<1024x32xf32, #tpu.memory_space<vmem>> -> memref<128x32xf32, #tpu.memory_space<vmem>>
    %dma_start3A_57 = arith.constant 768 : i32
    %dma_start3A_58 = tpu.memref_slice %arg6[%dma_start3A_57] : memref<2048xi32, #tpu.memory_space<vmem>> -> memref<128xi32, #tpu.memory_space<vmem>>
    %dma_start3A_59 = arith.constant 0 : i32
    %dma_start3A_60 = arith.constant 0 : i32
    %dma_start3A_61 = tpu.memref_slice %arg3[%dma_start3A_59, %dma_start3A_60] : memref<1000000x32xf32, #tpu.memory_space<hbm>> -> memref<1000000x32xf32, #tpu.memory_space<hbm>>
    tpu.enqueue_indirect_dma source(%dma_start3A_61 : memref<1000000x32xf32, #tpu.memory_space<hbm>>) target(%dma_start3A_56 : memref<128x32xf32, #tpu.memory_space<vmem>>) offsets(%dma_start3A_58 : memref<128xi32, #tpu.memory_space<vmem>>) semaphore(%arg9 : memref<!tpu.dma_semaphore, #tpu.memory_space<semaphore_mem>>)
    %dma_start3A_62 = arith.constant 896 : i32
    %dma_start3A_63 = arith.constant 0 : i32
    %dma_start3A_64 = tpu.memref_slice %arg7[%dma_start3A_62, %dma_start3A_63] : memref<1024x32xf32, #tpu.memory_space<vmem>> -> memref<128x32xf32, #tpu.memory_space<vmem>>
    %dma_start3A_65 = arith.constant 896 : i32
    %dma_start3A_66 = tpu.memref_slice %arg6[%dma_start3A_65] : memref<2048xi32, #tpu.memory_space<vmem>> -> memref<128xi32, #tpu.memory_space<vmem>>
    %dma_start3A_67 = arith.constant 0 : i32
    %dma_start3A_68 = arith.constant 0 : i32
    %dma_start3A_69 = tpu.memref_slice %arg3[%dma_start3A_67, %dma_start3A_68] : memref<1000000x32xf32, #tpu.memory_space<hbm>> -> memref<1000000x32xf32, #tpu.memory_space<hbm>>
    tpu.enqueue_indirect_dma source(%dma_start3A_69 : memref<1000000x32xf32, #tpu.memory_space<hbm>>) target(%dma_start3A_64 : memref<128x32xf32, #tpu.memory_space<vmem>>) offsets(%dma_start3A_66 : memref<128xi32, #tpu.memory_space<vmem>>) semaphore(%arg9 : memref<!tpu.dma_semaphore, #tpu.memory_space<semaphore_mem>>)
    %dma_wait3A = arith.constant 0 : i32
    %dma_wait3A_70 = arith.constant 0 : i32
    %dma_wait3A_71 = tpu.memref_slice %arg7[%dma_wait3A, %dma_wait3A_70] : memref<1024x32xf32, #tpu.memory_space<vmem>> -> memref<128x32xf32, #tpu.memory_space<vmem>>
    %dma_wait3A_72 = arith.constant 0 : i32
    %dma_wait3A_73 = tpu.memref_slice %arg6[%dma_wait3A_72] : memref<2048xi32, #tpu.memory_space<vmem>> -> memref<128xi32, #tpu.memory_space<vmem>>
    %dma_wait3A_74 = arith.constant 0 : i32
    %dma_wait3A_75 = arith.constant 0 : i32
    %dma_wait3A_76 = tpu.memref_slice %arg3[%dma_wait3A_74, %dma_wait3A_75] : memref<1000000x32xf32, #tpu.memory_space<hbm>> -> memref<1000000x32xf32, #tpu.memory_space<hbm>>
    tpu.wait_indirect_dma semaphore(%arg9 : memref<!tpu.dma_semaphore, #tpu.memory_space<semaphore_mem>>) src(%dma_wait3A_76 : memref<1000000x32xf32, #tpu.memory_space<hbm>>) dst(%dma_wait3A_71 : memref<128x32xf32, #tpu.memory_space<vmem>>)
    %dma_wait3A_77 = arith.constant 128 : i32
    %dma_wait3A_78 = arith.constant 0 : i32
    %dma_wait3A_79 = tpu.memref_slice %arg7[%dma_wait3A_77, %dma_wait3A_78] : memref<1024x32xf32, #tpu.memory_space<vmem>> -> memref<128x32xf32, #tpu.memory_space<vmem>>
    %dma_wait3A_80 = arith.constant 128 : i32
    %dma_wait3A_81 = tpu.memref_slice %arg6[%dma_wait3A_80] : memref<2048xi32, #tpu.memory_space<vmem>> -> memref<128xi32, #tpu.memory_space<vmem>>
    %dma_wait3A_82 = arith.constant 0 : i32
    %dma_wait3A_83 = arith.constant 0 : i32
    %dma_wait3A_84 = tpu.memref_slice %arg3[%dma_wait3A_82, %dma_wait3A_83] : memref<1000000x32xf32, #tpu.memory_space<hbm>> -> memref<1000000x32xf32, #tpu.memory_space<hbm>>
    tpu.wait_indirect_dma semaphore(%arg9 : memref<!tpu.dma_semaphore, #tpu.memory_space<semaphore_mem>>) src(%dma_wait3A_84 : memref<1000000x32xf32, #tpu.memory_space<hbm>>) dst(%dma_wait3A_79 : memref<128x32xf32, #tpu.memory_space<vmem>>)
    %dma_wait3A_85 = arith.constant 256 : i32
    %dma_wait3A_86 = arith.constant 0 : i32
    %dma_wait3A_87 = tpu.memref_slice %arg7[%dma_wait3A_85, %dma_wait3A_86] : memref<1024x32xf32, #tpu.memory_space<vmem>> -> memref<128x32xf32, #tpu.memory_space<vmem>>
    %dma_wait3A_88 = arith.constant 256 : i32
    %dma_wait3A_89 = tpu.memref_slice %arg6[%dma_wait3A_88] : memref<2048xi32, #tpu.memory_space<vmem>> -> memref<128xi32, #tpu.memory_space<vmem>>
    %dma_wait3A_90 = arith.constant 0 : i32
    %dma_wait3A_91 = arith.constant 0 : i32
    %dma_wait3A_92 = tpu.memref_slice %arg3[%dma_wait3A_90, %dma_wait3A_91] : memref<1000000x32xf32, #tpu.memory_space<hbm>> -> memref<1000000x32xf32, #tpu.memory_space<hbm>>
    tpu.wait_indirect_dma semaphore(%arg9 : memref<!tpu.dma_semaphore, #tpu.memory_space<semaphore_mem>>) src(%dma_wait3A_92 : memref<1000000x32xf32, #tpu.memory_space<hbm>>) dst(%dma_wait3A_87 : memref<128x32xf32, #tpu.memory_space<vmem>>)
    %dma_wait3A_93 = arith.constant 384 : i32
    %dma_wait3A_94 = arith.constant 0 : i32
    %dma_wait3A_95 = tpu.memref_slice %arg7[%dma_wait3A_93, %dma_wait3A_94] : memref<1024x32xf32, #tpu.memory_space<vmem>> -> memref<128x32xf32, #tpu.memory_space<vmem>>
    %dma_wait3A_96 = arith.constant 384 : i32
    %dma_wait3A_97 = tpu.memref_slice %arg6[%dma_wait3A_96] : memref<2048xi32, #tpu.memory_space<vmem>> -> memref<128xi32, #tpu.memory_space<vmem>>
    %dma_wait3A_98 = arith.constant 0 : i32
    %dma_wait3A_99 = arith.constant 0 : i32
    %dma_wait3A_100 = tpu.memref_slice %arg3[%dma_wait3A_98, %dma_wait3A_99] : memref<1000000x32xf32, #tpu.memory_space<hbm>> -> memref<1000000x32xf32, #tpu.memory_space<hbm>>
    tpu.wait_indirect_dma semaphore(%arg9 : memref<!tpu.dma_semaphore, #tpu.memory_space<semaphore_mem>>) src(%dma_wait3A_100 : memref<1000000x32xf32, #tpu.memory_space<hbm>>) dst(%dma_wait3A_95 : memref<128x32xf32, #tpu.memory_space<vmem>>)
    %dma_wait3A_101 = arith.constant 512 : i32
    %dma_wait3A_102 = arith.constant 0 : i32
    %dma_wait3A_103 = tpu.memref_slice %arg7[%dma_wait3A_101, %dma_wait3A_102] : memref<1024x32xf32, #tpu.memory_space<vmem>> -> memref<128x32xf32, #tpu.memory_space<vmem>>
    %dma_wait3A_104 = arith.constant 512 : i32
    %dma_wait3A_105 = tpu.memref_slice %arg6[%dma_wait3A_104] : memref<2048xi32, #tpu.memory_space<vmem>> -> memref<128xi32, #tpu.memory_space<vmem>>
    %dma_wait3A_106 = arith.constant 0 : i32
    %dma_wait3A_107 = arith.constant 0 : i32
    %dma_wait3A_108 = tpu.memref_slice %arg3[%dma_wait3A_106, %dma_wait3A_107] : memref<1000000x32xf32, #tpu.memory_space<hbm>> -> memref<1000000x32xf32, #tpu.memory_space<hbm>>
    tpu.wait_indirect_dma semaphore(%arg9 : memref<!tpu.dma_semaphore, #tpu.memory_space<semaphore_mem>>) src(%dma_wait3A_108 : memref<1000000x32xf32, #tpu.memory_space<hbm>>) dst(%dma_wait3A_103 : memref<128x32xf32, #tpu.memory_space<vmem>>)
    %dma_wait3A_109 = arith.constant 640 : i32
    %dma_wait3A_110 = arith.constant 0 : i32
    %dma_wait3A_111 = tpu.memref_slice %arg7[%dma_wait3A_109, %dma_wait3A_110] : memref<1024x32xf32, #tpu.memory_space<vmem>> -> memref<128x32xf32, #tpu.memory_space<vmem>>
    %dma_wait3A_112 = arith.constant 640 : i32
    %dma_wait3A_113 = tpu.memref_slice %arg6[%dma_wait3A_112] : memref<2048xi32, #tpu.memory_space<vmem>> -> memref<128xi32, #tpu.memory_space<vmem>>
    %dma_wait3A_114 = arith.constant 0 : i32
    %dma_wait3A_115 = arith.constant 0 : i32
    %dma_wait3A_116 = tpu.memref_slice %arg3[%dma_wait3A_114, %dma_wait3A_115] : memref<1000000x32xf32, #tpu.memory_space<hbm>> -> memref<1000000x32xf32, #tpu.memory_space<hbm>>
    tpu.wait_indirect_dma semaphore(%arg9 : memref<!tpu.dma_semaphore, #tpu.memory_space<semaphore_mem>>) src(%dma_wait3A_116 : memref<1000000x32xf32, #tpu.memory_space<hbm>>) dst(%dma_wait3A_111 : memref<128x32xf32, #tpu.memory_space<vmem>>)
    %dma_wait3A_117 = arith.constant 768 : i32
    %dma_wait3A_118 = arith.constant 0 : i32
    %dma_wait3A_119 = tpu.memref_slice %arg7[%dma_wait3A_117, %dma_wait3A_118] : memref<1024x32xf32, #tpu.memory_space<vmem>> -> memref<128x32xf32, #tpu.memory_space<vmem>>
    %dma_wait3A_120 = arith.constant 768 : i32
    %dma_wait3A_121 = tpu.memref_slice %arg6[%dma_wait3A_120] : memref<2048xi32, #tpu.memory_space<vmem>> -> memref<128xi32, #tpu.memory_space<vmem>>
    %dma_wait3A_122 = arith.constant 0 : i32
    %dma_wait3A_123 = arith.constant 0 : i32
    %dma_wait3A_124 = tpu.memref_slice %arg3[%dma_wait3A_122, %dma_wait3A_123] : memref<1000000x32xf32, #tpu.memory_space<hbm>> -> memref<1000000x32xf32, #tpu.memory_space<hbm>>
    tpu.wait_indirect_dma semaphore(%arg9 : memref<!tpu.dma_semaphore, #tpu.memory_space<semaphore_mem>>) src(%dma_wait3A_124 : memref<1000000x32xf32, #tpu.memory_space<hbm>>) dst(%dma_wait3A_119 : memref<128x32xf32, #tpu.memory_space<vmem>>)
    %dma_wait3A_125 = arith.constant 896 : i32
    %dma_wait3A_126 = arith.constant 0 : i32
    %dma_wait3A_127 = tpu.memref_slice %arg7[%dma_wait3A_125, %dma_wait3A_126] : memref<1024x32xf32, #tpu.memory_space<vmem>> -> memref<128x32xf32, #tpu.memory_space<vmem>>
    %dma_wait3A_128 = arith.constant 896 : i32
    %dma_wait3A_129 = tpu.memref_slice %arg6[%dma_wait3A_128] : memref<2048xi32, #tpu.memory_space<vmem>> -> memref<128xi32, #tpu.memory_space<vmem>>
    %dma_wait3A_130 = arith.constant 0 : i32
    %dma_wait3A_131 = arith.constant 0 : i32
    %dma_wait3A_132 = tpu.memref_slice %arg3[%dma_wait3A_130, %dma_wait3A_131] : memref<1000000x32xf32, #tpu.memory_space<hbm>> -> memref<1000000x32xf32, #tpu.memory_space<hbm>>
    tpu.wait_indirect_dma semaphore(%arg9 : memref<!tpu.dma_semaphore, #tpu.memory_space<semaphore_mem>>) src(%dma_wait3A_132 : memref<1000000x32xf32, #tpu.memory_space<hbm>>) dst(%dma_wait3A_127 : memref<128x32xf32, #tpu.memory_space<vmem>>)
    %dma_wait3A_133 = arith.constant 0 : i32
    %dma_wait3A_134 = arith.constant 0 : i32
    %dma_wait3A_135 = tpu.memref_slice %arg4[%dma_wait3A_133, %dma_wait3A_134] : memref<2048x32xf32, #tpu.memory_space<hbm>> -> memref<1024x32xf32, #tpu.memory_space<hbm>>
    %dma_wait3A_136 = arith.constant 0 : i32
    %dma_wait3A_137 = arith.constant 0 : i32
    %dma_wait3A_138 = tpu.memref_slice %arg4[%dma_wait3A_136, %dma_wait3A_137] : memref<2048x32xf32, #tpu.memory_space<hbm>> -> memref<1024x32xf32, #tpu.memory_space<hbm>>
    tpu.wait_dma2 semaphore(%arg10 : memref<!tpu.dma_semaphore, #tpu.memory_space<semaphore_mem>>) src(%dma_wait3A_138 : memref<1024x32xf32, #tpu.memory_space<hbm>>) dst(%arg8 : memref<1024x32xf32, #tpu.memory_space<vmem>>)
    %scan3A = arith.constant 0 : i32
    %scan3A_139 = arith.constant 0 : i32
    %scan3A_140 = arith.constant 1024 : i32
    %scan3A_141 = arith.addi %scan3A_139, %scan3A_140 : i32
    %scan3A_142 = arith.constant 1 : i32
    scf.for %scan3A_290 = %scan3A_139 to %scan3A_141 step %scan3A_142  : i32 {
      %get3A = arith.index_cast %scan3A_290 : i32 to index
      %get3A_291 = arith.constant 0 : index
      %get3A_292 = tpu.vector_load %arg8[%get3A, %get3A_291] {strides = array<i32>} : memref<1024x32xf32, #tpu.memory_space<vmem>>, vector<1x16xf32>,
      %get3A_293 = vector.shape_cast %get3A_292 : vector<1x16xf32> to vector<16xf32>
      %swap3A = arith.index_cast %scan3A_290 : i32 to index
      %swap3A_294 = arith.constant 0 : index
      %swap3A_295 = tpu.vector_load %arg7[%swap3A, %swap3A_294] {strides = array<i32>} : memref<1024x32xf32, #tpu.memory_space<vmem>>, vector<1x16xf32>,
      %swap3A_296 = vector.shape_cast %swap3A_295 : vector<1x16xf32> to vector<16xf32>
      %swap3A_297 = vector.shape_cast %get3A_293 : vector<16xf32> to vector<1x16xf32>
      tpu.vector_store %arg7[%swap3A, %swap3A_294], %swap3A_297 {add = true, strides = array<i32>} : memref<1024x32xf32, #tpu.memory_space<vmem>>, vector<1x16xf32>,
      %get3A_298 = arith.index_cast %scan3A_290 : i32 to index
      %get3A_299 = arith.constant 16 : index
      %get3A_300 = tpu.vector_load %arg8[%get3A_298, %get3A_299] {strides = array<i32>} : memref<1024x32xf32, #tpu.memory_space<vmem>>, vector<1x16xf32>,
      %get3A_301 = vector.shape_cast %get3A_300 : vector<1x16xf32> to vector<16xf32>
      %swap3A_302 = arith.index_cast %scan3A_290 : i32 to index
      %swap3A_303 = arith.constant 16 : index
      %swap3A_304 = tpu.vector_load %arg7[%swap3A_302, %swap3A_303] {strides = array<i32>} : memref<1024x32xf32, #tpu.memory_space<vmem>>, vector<1x16xf32>,
      %swap3A_305 = vector.shape_cast %swap3A_304 : vector<1x16xf32> to vector<16xf32>
      %swap3A_306 = vector.shape_cast %get3A_301 : vector<16xf32> to vector<1x16xf32>
      tpu.vector_store %arg7[%swap3A_302, %swap3A_303], %swap3A_306 {add = true, strides = array<i32>} : memref<1024x32xf32, #tpu.memory_space<vmem>>, vector<1x16xf32>,
    }
    %scan3A_143 = arith.constant 1024 : i32
    "tpu.region"() ({
      %run_scoped3A = tpu.sem_alloc : memref<!tpu.dma_semaphore, #tpu.memory_space<semaphore_mem>>
      %dma_start3A_290 = arith.constant 0 : i32
      %dma_start3A_291 = arith.constant 0 : i32
      %dma_start3A_292 = tpu.memref_slice %arg5[%add3A, %dma_start3A_290, %dma_start3A_291] : memref<32x2048x32xf32, #tpu.memory_space<hbm>> -> memref<1x1024x32xf32, #tpu.memory_space<hbm>>
      %dma_start3A_293 = tpu.memref_squeeze %dma_start3A_292 : memref<1x1024x32xf32, #tpu.memory_space<hbm>> -> memref<1024x32xf32, #tpu.memory_space<hbm>>
      %dma_start3A_294 = arith.constant 0 : i32
      %dma_start3A_295 = arith.constant 0 : i32
      %dma_start3A_296 = tpu.memref_slice %arg5[%add3A, %dma_start3A_294, %dma_start3A_295] : memref<32x2048x32xf32, #tpu.memory_space<hbm>> -> memref<1x1024x32xf32, #tpu.memory_space<hbm>>
      %dma_start3A_297 = tpu.memref_squeeze %dma_start3A_296 : memref<1x1024x32xf32, #tpu.memory_space<hbm>> -> memref<1024x32xf32, #tpu.memory_space<hbm>>
      tpu.enqueue_dma source(%arg7 : memref<1024x32xf32, #tpu.memory_space<vmem>>) target(%dma_start3A_297 : memref<1024x32xf32, #tpu.memory_space<hbm>>) target_semaphore(%run_scoped3A : memref<!tpu.dma_semaphore, #tpu.memory_space<semaphore_mem>>)
      %dma_wait3A_298 = arith.constant 0 : i32
      %dma_wait3A_299 = arith.constant 0 : i32
      %dma_wait3A_300 = tpu.memref_slice %arg5[%add3A, %dma_wait3A_298, %dma_wait3A_299] : memref<32x2048x32xf32, #tpu.memory_space<hbm>> -> memref<1x1024x32xf32, #tpu.memory_space<hbm>>
      %dma_wait3A_301 = tpu.memref_squeeze %dma_wait3A_300 : memref<1x1024x32xf32, #tpu.memory_space<hbm>> -> memref<1024x32xf32, #tpu.memory_space<hbm>>
      %dma_wait3A_302 = arith.constant 0 : i32
      %dma_wait3A_303 = arith.constant 0 : i32
      %dma_wait3A_304 = tpu.memref_slice %arg5[%add3A, %dma_wait3A_302, %dma_wait3A_303] : memref<32x2048x32xf32, #tpu.memory_space<hbm>> -> memref<1x1024x32xf32, #tpu.memory_space<hbm>>
      %dma_wait3A_305 = tpu.memref_squeeze %dma_wait3A_304 : memref<1x1024x32xf32, #tpu.memory_space<hbm>> -> memref<1024x32xf32, #tpu.memory_space<hbm>>
      tpu.wait_dma2 semaphore(%run_scoped3A : memref<!tpu.dma_semaphore, #tpu.memory_space<semaphore_mem>>) src(%arg7 : memref<1024x32xf32, #tpu.memory_space<vmem>>) dst(%dma_wait3A_305 : memref<1024x32xf32, #tpu.memory_space<hbm>>)
      tpu.yield
    }) : () -> ()
    %dma_start3A_144 = arith.constant 1024 : i32
    %dma_start3A_145 = arith.constant 0 : i32
    %dma_start3A_146 = tpu.memref_slice %arg4[%dma_start3A_144, %dma_start3A_145] : memref<2048x32xf32, #tpu.memory_space<hbm>> -> memref<1024x32xf32, #tpu.memory_space<hbm>>
    %dma_start3A_147 = arith.constant 1024 : i32
    %dma_start3A_148 = arith.constant 0 : i32
    %dma_start3A_149 = tpu.memref_slice %arg4[%dma_start3A_147, %dma_start3A_148] : memref<2048x32xf32, #tpu.memory_space<hbm>> -> memref<1024x32xf32, #tpu.memory_space<hbm>>
    tpu.enqueue_dma source(%dma_start3A_149 : memref<1024x32xf32, #tpu.memory_space<hbm>>) target(%arg8 : memref<1024x32xf32, #tpu.memory_space<vmem>>) target_semaphore(%arg10 : memref<!tpu.dma_semaphore, #tpu.memory_space<semaphore_mem>>)
    %dma_start3A_150 = arith.constant 0 : i32
    %dma_start3A_151 = arith.constant 0 : i32
    %dma_start3A_152 = tpu.memref_slice %arg7[%dma_start3A_150, %dma_start3A_151] : memref<1024x32xf32, #tpu.memory_space<vmem>> -> memref<128x32xf32, #tpu.memory_space<vmem>>
    %dma_start3A_153 = arith.constant 1024 : i32
    %dma_start3A_154 = tpu.memref_slice %arg6[%dma_start3A_153] : memref<2048xi32, #tpu.memory_space<vmem>> -> memref<128xi32, #tpu.memory_space<vmem>>
    %dma_start3A_155 = arith.constant 0 : i32
    %dma_start3A_156 = arith.constant 0 : i32
    %dma_start3A_157 = tpu.memref_slice %arg3[%dma_start3A_155, %dma_start3A_156] : memref<1000000x32xf32, #tpu.memory_space<hbm>> -> memref<1000000x32xf32, #tpu.memory_space<hbm>>
    tpu.enqueue_indirect_dma source(%dma_start3A_157 : memref<1000000x32xf32, #tpu.memory_space<hbm>>) target(%dma_start3A_152 : memref<128x32xf32, #tpu.memory_space<vmem>>) offsets(%dma_start3A_154 : memref<128xi32, #tpu.memory_space<vmem>>) semaphore(%arg9 : memref<!tpu.dma_semaphore, #tpu.memory_space<semaphore_mem>>)
    %dma_start3A_158 = arith.constant 128 : i32
    %dma_start3A_159 = arith.constant 0 : i32
    %dma_start3A_160 = tpu.memref_slice %arg7[%dma_start3A_158, %dma_start3A_159] : memref<1024x32xf32, #tpu.memory_space<vmem>> -> memref<128x32xf32, #tpu.memory_space<vmem>>
    %dma_start3A_161 = arith.constant 1152 : i32
    %dma_start3A_162 = tpu.memref_slice %arg6[%dma_start3A_161] : memref<2048xi32, #tpu.memory_space<vmem>> -> memref<128xi32, #tpu.memory_space<vmem>>
    %dma_start3A_163 = arith.constant 0 : i32
    %dma_start3A_164 = arith.constant 0 : i32
    %dma_start3A_165 = tpu.memref_slice %arg3[%dma_start3A_163, %dma_start3A_164] : memref<1000000x32xf32, #tpu.memory_space<hbm>> -> memref<1000000x32xf32, #tpu.memory_space<hbm>>
    tpu.enqueue_indirect_dma source(%dma_start3A_165 : memref<1000000x32xf32, #tpu.memory_space<hbm>>) target(%dma_start3A_160 : memref<128x32xf32, #tpu.memory_space<vmem>>) offsets(%dma_start3A_162 : memref<128xi32, #tpu.memory_space<vmem>>) semaphore(%arg9 : memref<!tpu.dma_semaphore, #tpu.memory_space<semaphore_mem>>)
    %dma_start3A_166 = arith.constant 256 : i32
    %dma_start3A_167 = arith.constant 0 : i32
    %dma_start3A_168 = tpu.memref_slice %arg7[%dma_start3A_166, %dma_start3A_167] : memref<1024x32xf32, #tpu.memory_space<vmem>> -> memref<128x32xf32, #tpu.memory_space<vmem>>
    %dma_start3A_169 = arith.constant 1280 : i32
    %dma_start3A_170 = tpu.memref_slice %arg6[%dma_start3A_169] : memref<2048xi32, #tpu.memory_space<vmem>> -> memref<128xi32, #tpu.memory_space<vmem>>
    %dma_start3A_171 = arith.constant 0 : i32
    %dma_start3A_172 = arith.constant 0 : i32
    %dma_start3A_173 = tpu.memref_slice %arg3[%dma_start3A_171, %dma_start3A_172] : memref<1000000x32xf32, #tpu.memory_space<hbm>> -> memref<1000000x32xf32, #tpu.memory_space<hbm>>
    tpu.enqueue_indirect_dma source(%dma_start3A_173 : memref<1000000x32xf32, #tpu.memory_space<hbm>>) target(%dma_start3A_168 : memref<128x32xf32, #tpu.memory_space<vmem>>) offsets(%dma_start3A_170 : memref<128xi32, #tpu.memory_space<vmem>>) semaphore(%arg9 : memref<!tpu.dma_semaphore, #tpu.memory_space<semaphore_mem>>)
    %dma_start3A_174 = arith.constant 384 : i32
    %dma_start3A_175 = arith.constant 0 : i32
    %dma_start3A_176 = tpu.memref_slice %arg7[%dma_start3A_174, %dma_start3A_175] : memref<1024x32xf32, #tpu.memory_space<vmem>> -> memref<128x32xf32, #tpu.memory_space<vmem>>
    %dma_start3A_177 = arith.constant 1408 : i32
    %dma_start3A_178 = tpu.memref_slice %arg6[%dma_start3A_177] : memref<2048xi32, #tpu.memory_space<vmem>> -> memref<128xi32, #tpu.memory_space<vmem>>
    %dma_start3A_179 = arith.constant 0 : i32
    %dma_start3A_180 = arith.constant 0 : i32
    %dma_start3A_181 = tpu.memref_slice %arg3[%dma_start3A_179, %dma_start3A_180] : memref<1000000x32xf32, #tpu.memory_space<hbm>> -> memref<1000000x32xf32, #tpu.memory_space<hbm>>
    tpu.enqueue_indirect_dma source(%dma_start3A_181 : memref<1000000x32xf32, #tpu.memory_space<hbm>>) target(%dma_start3A_176 : memref<128x32xf32, #tpu.memory_space<vmem>>) offsets(%dma_start3A_178 : memref<128xi32, #tpu.memory_space<vmem>>) semaphore(%arg9 : memref<!tpu.dma_semaphore, #tpu.memory_space<semaphore_mem>>)
    %dma_start3A_182 = arith.constant 512 : i32
    %dma_start3A_183 = arith.constant 0 : i32
    %dma_start3A_184 = tpu.memref_slice %arg7[%dma_start3A_182, %dma_start3A_183] : memref<1024x32xf32, #tpu.memory_space<vmem>> -> memref<128x32xf32, #tpu.memory_space<vmem>>
    %dma_start3A_185 = arith.constant 1536 : i32
    %dma_start3A_186 = tpu.memref_slice %arg6[%dma_start3A_185] : memref<2048xi32, #tpu.memory_space<vmem>> -> memref<128xi32, #tpu.memory_space<vmem>>
    %dma_start3A_187 = arith.constant 0 : i32
    %dma_start3A_188 = arith.constant 0 : i32
    %dma_start3A_189 = tpu.memref_slice %arg3[%dma_start3A_187, %dma_start3A_188] : memref<1000000x32xf32, #tpu.memory_space<hbm>> -> memref<1000000x32xf32, #tpu.memory_space<hbm>>
    tpu.enqueue_indirect_dma source(%dma_start3A_189 : memref<1000000x32xf32, #tpu.memory_space<hbm>>) target(%dma_start3A_184 : memref<128x32xf32, #tpu.memory_space<vmem>>) offsets(%dma_start3A_186 : memref<128xi32, #tpu.memory_space<vmem>>) semaphore(%arg9 : memref<!tpu.dma_semaphore, #tpu.memory_space<semaphore_mem>>)
    %dma_start3A_190 = arith.constant 640 : i32
    %dma_start3A_191 = arith.constant 0 : i32
    %dma_start3A_192 = tpu.memref_slice %arg7[%dma_start3A_190, %dma_start3A_191] : memref<1024x32xf32, #tpu.memory_space<vmem>> -> memref<128x32xf32, #tpu.memory_space<vmem>>
    %dma_start3A_193 = arith.constant 1664 : i32
    %dma_start3A_194 = tpu.memref_slice %arg6[%dma_start3A_193] : memref<2048xi32, #tpu.memory_space<vmem>> -> memref<128xi32, #tpu.memory_space<vmem>>
    %dma_start3A_195 = arith.constant 0 : i32
    %dma_start3A_196 = arith.constant 0 : i32
    %dma_start3A_197 = tpu.memref_slice %arg3[%dma_start3A_195, %dma_start3A_196] : memref<1000000x32xf32, #tpu.memory_space<hbm>> -> memref<1000000x32xf32, #tpu.memory_space<hbm>>
    tpu.enqueue_indirect_dma source(%dma_start3A_197 : memref<1000000x32xf32, #tpu.memory_space<hbm>>) target(%dma_start3A_192 : memref<128x32xf32, #tpu.memory_space<vmem>>) offsets(%dma_start3A_194 : memref<128xi32, #tpu.memory_space<vmem>>) semaphore(%arg9 : memref<!tpu.dma_semaphore, #tpu.memory_space<semaphore_mem>>)
    %dma_start3A_198 = arith.constant 768 : i32
    %dma_start3A_199 = arith.constant 0 : i32
    %dma_start3A_200 = tpu.memref_slice %arg7[%dma_start3A_198, %dma_start3A_199] : memref<1024x32xf32, #tpu.memory_space<vmem>> -> memref<128x32xf32, #tpu.memory_space<vmem>>
    %dma_start3A_201 = arith.constant 1792 : i32
    %dma_start3A_202 = tpu.memref_slice %arg6[%dma_start3A_201] : memref<2048xi32, #tpu.memory_space<vmem>> -> memref<128xi32, #tpu.memory_space<vmem>>
    %dma_start3A_203 = arith.constant 0 : i32
    %dma_start3A_204 = arith.constant 0 : i32
    %dma_start3A_205 = tpu.memref_slice %arg3[%dma_start3A_203, %dma_start3A_204] : memref<1000000x32xf32, #tpu.memory_space<hbm>> -> memref<1000000x32xf32, #tpu.memory_space<hbm>>
    tpu.enqueue_indirect_dma source(%dma_start3A_205 : memref<1000000x32xf32, #tpu.memory_space<hbm>>) target(%dma_start3A_200 : memref<128x32xf32, #tpu.memory_space<vmem>>) offsets(%dma_start3A_202 : memref<128xi32, #tpu.memory_space<vmem>>) semaphore(%arg9 : memref<!tpu.dma_semaphore, #tpu.memory_space<semaphore_mem>>)
    %dma_start3A_206 = arith.constant 896 : i32
    %dma_start3A_207 = arith.constant 0 : i32
    %dma_start3A_208 = tpu.memref_slice %arg7[%dma_start3A_206, %dma_start3A_207] : memref<1024x32xf32, #tpu.memory_space<vmem>> -> memref<128x32xf32, #tpu.memory_space<vmem>>
    %dma_start3A_209 = arith.constant 1920 : i32
    %dma_start3A_210 = tpu.memref_slice %arg6[%dma_start3A_209] : memref<2048xi32, #tpu.memory_space<vmem>> -> memref<128xi32, #tpu.memory_space<vmem>>
    %dma_start3A_211 = arith.constant 0 : i32
    %dma_start3A_212 = arith.constant 0 : i32
    %dma_start3A_213 = tpu.memref_slice %arg3[%dma_start3A_211, %dma_start3A_212] : memref<1000000x32xf32, #tpu.memory_space<hbm>> -> memref<1000000x32xf32, #tpu.memory_space<hbm>>
    tpu.enqueue_indirect_dma source(%dma_start3A_213 : memref<1000000x32xf32, #tpu.memory_space<hbm>>) target(%dma_start3A_208 : memref<128x32xf32, #tpu.memory_space<vmem>>) offsets(%dma_start3A_210 : memref<128xi32, #tpu.memory_space<vmem>>) semaphore(%arg9 : memref<!tpu.dma_semaphore, #tpu.memory_space<semaphore_mem>>)
    %dma_wait3A_214 = arith.constant 0 : i32
    %dma_wait3A_215 = arith.constant 0 : i32
    %dma_wait3A_216 = tpu.memref_slice %arg7[%dma_wait3A_214, %dma_wait3A_215] : memref<1024x32xf32, #tpu.memory_space<vmem>> -> memref<128x32xf32, #tpu.memory_space<vmem>>
    %dma_wait3A_217 = arith.constant 1024 : i32
    %dma_wait3A_218 = tpu.memref_slice %arg6[%dma_wait3A_217] : memref<2048xi32, #tpu.memory_space<vmem>> -> memref<128xi32, #tpu.memory_space<vmem>>
    %dma_wait3A_219 = arith.constant 0 : i32
    %dma_wait3A_220 = arith.constant 0 : i32
    %dma_wait3A_221 = tpu.memref_slice %arg3[%dma_wait3A_219, %dma_wait3A_220] : memref<1000000x32xf32, #tpu.memory_space<hbm>> -> memref<1000000x32xf32, #tpu.memory_space<hbm>>
    tpu.wait_indirect_dma semaphore(%arg9 : memref<!tpu.dma_semaphore, #tpu.memory_space<semaphore_mem>>) src(%dma_wait3A_221 : memref<1000000x32xf32, #tpu.memory_space<hbm>>) dst(%dma_wait3A_216 : memref<128x32xf32, #tpu.memory_space<vmem>>)
    %dma_wait3A_222 = arith.constant 128 : i32
    %dma_wait3A_223 = arith.constant 0 : i32
    %dma_wait3A_224 = tpu.memref_slice %arg7[%dma_wait3A_222, %dma_wait3A_223] : memref<1024x32xf32, #tpu.memory_space<vmem>> -> memref<128x32xf32, #tpu.memory_space<vmem>>
    %dma_wait3A_225 = arith.constant 1152 : i32
    %dma_wait3A_226 = tpu.memref_slice %arg6[%dma_wait3A_225] : memref<2048xi32, #tpu.memory_space<vmem>> -> memref<128xi32, #tpu.memory_space<vmem>>
    %dma_wait3A_227 = arith.constant 0 : i32
    %dma_wait3A_228 = arith.constant 0 : i32
    %dma_wait3A_229 = tpu.memref_slice %arg3[%dma_wait3A_227, %dma_wait3A_228] : memref<1000000x32xf32, #tpu.memory_space<hbm>> -> memref<1000000x32xf32, #tpu.memory_space<hbm>>
    tpu.wait_indirect_dma semaphore(%arg9 : memref<!tpu.dma_semaphore, #tpu.memory_space<semaphore_mem>>) src(%dma_wait3A_229 : memref<1000000x32xf32, #tpu.memory_space<hbm>>) dst(%dma_wait3A_224 : memref<128x32xf32, #tpu.memory_space<vmem>>)
    %dma_wait3A_230 = arith.constant 256 : i32
    %dma_wait3A_231 = arith.constant 0 : i32
    %dma_wait3A_232 = tpu.memref_slice %arg7[%dma_wait3A_230, %dma_wait3A_231] : memref<1024x32xf32, #tpu.memory_space<vmem>> -> memref<128x32xf32, #tpu.memory_space<vmem>>
    %dma_wait3A_233 = arith.constant 1280 : i32
    %dma_wait3A_234 = tpu.memref_slice %arg6[%dma_wait3A_233] : memref<2048xi32, #tpu.memory_space<vmem>> -> memref<128xi32, #tpu.memory_space<vmem>>
    %dma_wait3A_235 = arith.constant 0 : i32
    %dma_wait3A_236 = arith.constant 0 : i32
    %dma_wait3A_237 = tpu.memref_slice %arg3[%dma_wait3A_235, %dma_wait3A_236] : memref<1000000x32xf32, #tpu.memory_space<hbm>> -> memref<1000000x32xf32, #tpu.memory_space<hbm>>
    tpu.wait_indirect_dma semaphore(%arg9 : memref<!tpu.dma_semaphore, #tpu.memory_space<semaphore_mem>>) src(%dma_wait3A_237 : memref<1000000x32xf32, #tpu.memory_space<hbm>>) dst(%dma_wait3A_232 : memref<128x32xf32, #tpu.memory_space<vmem>>)
    %dma_wait3A_238 = arith.constant 384 : i32
    %dma_wait3A_239 = arith.constant 0 : i32
    %dma_wait3A_240 = tpu.memref_slice %arg7[%dma_wait3A_238, %dma_wait3A_239] : memref<1024x32xf32, #tpu.memory_space<vmem>> -> memref<128x32xf32, #tpu.memory_space<vmem>>
    %dma_wait3A_241 = arith.constant 1408 : i32
    %dma_wait3A_242 = tpu.memref_slice %arg6[%dma_wait3A_241] : memref<2048xi32, #tpu.memory_space<vmem>> -> memref<128xi32, #tpu.memory_space<vmem>>
    %dma_wait3A_243 = arith.constant 0 : i32
    %dma_wait3A_244 = arith.constant 0 : i32
    %dma_wait3A_245 = tpu.memref_slice %arg3[%dma_wait3A_243, %dma_wait3A_244] : memref<1000000x32xf32, #tpu.memory_space<hbm>> -> memref<1000000x32xf32, #tpu.memory_space<hbm>>
    tpu.wait_indirect_dma semaphore(%arg9 : memref<!tpu.dma_semaphore, #tpu.memory_space<semaphore_mem>>) src(%dma_wait3A_245 : memref<1000000x32xf32, #tpu.memory_space<hbm>>) dst(%dma_wait3A_240 : memref<128x32xf32, #tpu.memory_space<vmem>>)
    %dma_wait3A_246 = arith.constant 512 : i32
    %dma_wait3A_247 = arith.constant 0 : i32
    %dma_wait3A_248 = tpu.memref_slice %arg7[%dma_wait3A_246, %dma_wait3A_247] : memref<1024x32xf32, #tpu.memory_space<vmem>> -> memref<128x32xf32, #tpu.memory_space<vmem>>
    %dma_wait3A_249 = arith.constant 1536 : i32
    %dma_wait3A_250 = tpu.memref_slice %arg6[%dma_wait3A_249] : memref<2048xi32, #tpu.memory_space<vmem>> -> memref<128xi32, #tpu.memory_space<vmem>>
    %dma_wait3A_251 = arith.constant 0 : i32
    %dma_wait3A_252 = arith.constant 0 : i32
    %dma_wait3A_253 = tpu.memref_slice %arg3[%dma_wait3A_251, %dma_wait3A_252] : memref<1000000x32xf32, #tpu.memory_space<hbm>> -> memref<1000000x32xf32, #tpu.memory_space<hbm>>
    tpu.wait_indirect_dma semaphore(%arg9 : memref<!tpu.dma_semaphore, #tpu.memory_space<semaphore_mem>>) src(%dma_wait3A_253 : memref<1000000x32xf32, #tpu.memory_space<hbm>>) dst(%dma_wait3A_248 : memref<128x32xf32, #tpu.memory_space<vmem>>)
    %dma_wait3A_254 = arith.constant 640 : i32
    %dma_wait3A_255 = arith.constant 0 : i32
    %dma_wait3A_256 = tpu.memref_slice %arg7[%dma_wait3A_254, %dma_wait3A_255] : memref<1024x32xf32, #tpu.memory_space<vmem>> -> memref<128x32xf32, #tpu.memory_space<vmem>>
    %dma_wait3A_257 = arith.constant 1664 : i32
    %dma_wait3A_258 = tpu.memref_slice %arg6[%dma_wait3A_257] : memref<2048xi32, #tpu.memory_space<vmem>> -> memref<128xi32, #tpu.memory_space<vmem>>
    %dma_wait3A_259 = arith.constant 0 : i32
    %dma_wait3A_260 = arith.constant 0 : i32
    %dma_wait3A_261 = tpu.memref_slice %arg3[%dma_wait3A_259, %dma_wait3A_260] : memref<1000000x32xf32, #tpu.memory_space<hbm>> -> memref<1000000x32xf32, #tpu.memory_space<hbm>>
    tpu.wait_indirect_dma semaphore(%arg9 : memref<!tpu.dma_semaphore, #tpu.memory_space<semaphore_mem>>) src(%dma_wait3A_261 : memref<1000000x32xf32, #tpu.memory_space<hbm>>) dst(%dma_wait3A_256 : memref<128x32xf32, #tpu.memory_space<vmem>>)
    %dma_wait3A_262 = arith.constant 768 : i32
    %dma_wait3A_263 = arith.constant 0 : i32
    %dma_wait3A_264 = tpu.memref_slice %arg7[%dma_wait3A_262, %dma_wait3A_263] : memref<1024x32xf32, #tpu.memory_space<vmem>> -> memref<128x32xf32, #tpu.memory_space<vmem>>
    %dma_wait3A_265 = arith.constant 1792 : i32
    %dma_wait3A_266 = tpu.memref_slice %arg6[%dma_wait3A_265] : memref<2048xi32, #tpu.memory_space<vmem>> -> memref<128xi32, #tpu.memory_space<vmem>>
    %dma_wait3A_267 = arith.constant 0 : i32
    %dma_wait3A_268 = arith.constant 0 : i32
    %dma_wait3A_269 = tpu.memref_slice %arg3[%dma_wait3A_267, %dma_wait3A_268] : memref<1000000x32xf32, #tpu.memory_space<hbm>> -> memref<1000000x32xf32, #tpu.memory_space<hbm>>
    tpu.wait_indirect_dma semaphore(%arg9 : memref<!tpu.dma_semaphore, #tpu.memory_space<semaphore_mem>>) src(%dma_wait3A_269 : memref<1000000x32xf32, #tpu.memory_space<hbm>>) dst(%dma_wait3A_264 : memref<128x32xf32, #tpu.memory_space<vmem>>)
    %dma_wait3A_270 = arith.constant 896 : i32
    %dma_wait3A_271 = arith.constant 0 : i32
    %dma_wait3A_272 = tpu.memref_slice %arg7[%dma_wait3A_270, %dma_wait3A_271] : memref<1024x32xf32, #tpu.memory_space<vmem>> -> memref<128x32xf32, #tpu.memory_space<vmem>>
    %dma_wait3A_273 = arith.constant 1920 : i32
    %dma_wait3A_274 = tpu.memref_slice %arg6[%dma_wait3A_273] : memref<2048xi32, #tpu.memory_space<vmem>> -> memref<128xi32, #tpu.memory_space<vmem>>
    %dma_wait3A_275 = arith.constant 0 : i32
    %dma_wait3A_276 = arith.constant 0 : i32
    %dma_wait3A_277 = tpu.memref_slice %arg3[%dma_wait3A_275, %dma_wait3A_276] : memref<1000000x32xf32, #tpu.memory_space<hbm>> -> memref<1000000x32xf32, #tpu.memory_space<hbm>>
    tpu.wait_indirect_dma semaphore(%arg9 : memref<!tpu.dma_semaphore, #tpu.memory_space<semaphore_mem>>) src(%dma_wait3A_277 : memref<1000000x32xf32, #tpu.memory_space<hbm>>) dst(%dma_wait3A_272 : memref<128x32xf32, #tpu.memory_space<vmem>>)
    %dma_wait3A_278 = arith.constant 1024 : i32
    %dma_wait3A_279 = arith.constant 0 : i32
    %dma_wait3A_280 = tpu.memref_slice %arg4[%dma_wait3A_278, %dma_wait3A_279] : memref<2048x32xf32, #tpu.memory_space<hbm>> -> memref<1024x32xf32, #tpu.memory_space<hbm>>
    %dma_wait3A_281 = arith.constant 1024 : i32
    %dma_wait3A_282 = arith.constant 0 : i32
    %dma_wait3A_283 = tpu.memref_slice %arg4[%dma_wait3A_281, %dma_wait3A_282] : memref<2048x32xf32, #tpu.memory_space<hbm>> -> memref<1024x32xf32, #tpu.memory_space<hbm>>
    tpu.wait_dma2 semaphore(%arg10 : memref<!tpu.dma_semaphore, #tpu.memory_space<semaphore_mem>>) src(%dma_wait3A_283 : memref<1024x32xf32, #tpu.memory_space<hbm>>) dst(%arg8 : memref<1024x32xf32, #tpu.memory_space<vmem>>)
    %scan3A_284 = arith.constant 0 : i32
    %scan3A_285 = arith.constant 0 : i32
    %scan3A_286 = arith.constant 1024 : i32
    %scan3A_287 = arith.addi %scan3A_285, %scan3A_286 : i32
    %scan3A_288 = arith.constant 1 : i32
    scf.for %scan3A_290 = %scan3A_285 to %scan3A_287 step %scan3A_288  : i32 {
      %get3A = arith.index_cast %scan3A_290 : i32 to index
      %get3A_291 = arith.constant 0 : index
      %get3A_292 = tpu.vector_load %arg8[%get3A, %get3A_291] {strides = array<i32>} : memref<1024x32xf32, #tpu.memory_space<vmem>>, vector<1x16xf32>,
      %get3A_293 = vector.shape_cast %get3A_292 : vector<1x16xf32> to vector<16xf32>
      %swap3A = arith.index_cast %scan3A_290 : i32 to index
      %swap3A_294 = arith.constant 0 : index
      %swap3A_295 = tpu.vector_load %arg7[%swap3A, %swap3A_294] {strides = array<i32>} : memref<1024x32xf32, #tpu.memory_space<vmem>>, vector<1x16xf32>,
      %swap3A_296 = vector.shape_cast %swap3A_295 : vector<1x16xf32> to vector<16xf32>
      %swap3A_297 = vector.shape_cast %get3A_293 : vector<16xf32> to vector<1x16xf32>
      tpu.vector_store %arg7[%swap3A, %swap3A_294], %swap3A_297 {add = true, strides = array<i32>} : memref<1024x32xf32, #tpu.memory_space<vmem>>, vector<1x16xf32>,
      %get3A_298 = arith.index_cast %scan3A_290 : i32 to index
      %get3A_299 = arith.constant 16 : index
      %get3A_300 = tpu.vector_load %arg8[%get3A_298, %get3A_299] {strides = array<i32>} : memref<1024x32xf32, #tpu.memory_space<vmem>>, vector<1x16xf32>,
      %get3A_301 = vector.shape_cast %get3A_300 : vector<1x16xf32> to vector<16xf32>
      %swap3A_302 = arith.index_cast %scan3A_290 : i32 to index
      %swap3A_303 = arith.constant 16 : index
      %swap3A_304 = tpu.vector_load %arg7[%swap3A_302, %swap3A_303] {strides = array<i32>} : memref<1024x32xf32, #tpu.memory_space<vmem>>, vector<1x16xf32>,
      %swap3A_305 = vector.shape_cast %swap3A_304 : vector<1x16xf32> to vector<16xf32>
      %swap3A_306 = vector.shape_cast %get3A_301 : vector<16xf32> to vector<1x16xf32>
      tpu.vector_store %arg7[%swap3A_302, %swap3A_303], %swap3A_306 {add = true, strides = array<i32>} : memref<1024x32xf32, #tpu.memory_space<vmem>>, vector<1x16xf32>,
    }
    %scan3A_289 = arith.constant 1024 : i32
    "tpu.region"() ({
      %run_scoped3A = tpu.sem_alloc : memref<!tpu.dma_semaphore, #tpu.memory_space<semaphore_mem>>
      %dma_start3A_290 = arith.constant 1024 : i32
      %dma_start3A_291 = arith.constant 0 : i32
      %dma_start3A_292 = tpu.memref_slice %arg5[%add3A, %dma_start3A_290, %dma_start3A_291] : memref<32x2048x32xf32, #tpu.memory_space<hbm>> -> memref<1x1024x32xf32, #tpu.memory_space<hbm>>
      %dma_start3A_293 = tpu.memref_squeeze %dma_start3A_292 : memref<1x1024x32xf32, #tpu.memory_space<hbm>> -> memref<1024x32xf32, #tpu.memory_space<hbm>>
      %dma_start3A_294 = arith.constant 1024 : i32
      %dma_start3A_295 = arith.constant 0 : i32
      %dma_start3A_296 = tpu.memref_slice %arg5[%add3A, %dma_start3A_294, %dma_start3A_295] : memref<32x2048x32xf32, #tpu.memory_space<hbm>> -> memref<1x1024x32xf32, #tpu.memory_space<hbm>>
      %dma_start3A_297 = tpu.memref_squeeze %dma_start3A_296 : memref<1x1024x32xf32, #tpu.memory_space<hbm>> -> memref<1024x32xf32, #tpu.memory_space<hbm>>
      tpu.enqueue_dma source(%arg7 : memref<1024x32xf32, #tpu.memory_space<vmem>>) target(%dma_start3A_297 : memref<1024x32xf32, #tpu.memory_space<hbm>>) target_semaphore(%run_scoped3A : memref<!tpu.dma_semaphore, #tpu.memory_space<semaphore_mem>>)
      %dma_wait3A_298 = arith.constant 1024 : i32
      %dma_wait3A_299 = arith.constant 0 : i32
      %dma_wait3A_300 = tpu.memref_slice %arg5[%add3A, %dma_wait3A_298, %dma_wait3A_299] : memref<32x2048x32xf32, #tpu.memory_space<hbm>> -> memref<1x1024x32xf32, #tpu.memory_space<hbm>>
      %dma_wait3A_301 = tpu.memref_squeeze %dma_wait3A_300 : memref<1x1024x32xf32, #tpu.memory_space<hbm>> -> memref<1024x32xf32, #tpu.memory_space<hbm>>
      %dma_wait3A_302 = arith.constant 1024 : i32
      %dma_wait3A_303 = arith.constant 0 : i32
      %dma_wait3A_304 = tpu.memref_slice %arg5[%add3A, %dma_wait3A_302, %dma_wait3A_303] : memref<32x2048x32xf32, #tpu.memory_space<hbm>> -> memref<1x1024x32xf32, #tpu.memory_space<hbm>>
      %dma_wait3A_305 = tpu.memref_squeeze %dma_wait3A_304 : memref<1x1024x32xf32, #tpu.memory_space<hbm>> -> memref<1024x32xf32, #tpu.memory_space<hbm>>
      tpu.wait_dma2 semaphore(%run_scoped3A : memref<!tpu.dma_semaphore, #tpu.memory_space<semaphore_mem>>) src(%arg7 : memref<1024x32xf32, #tpu.memory_space<vmem>>) dst(%dma_wait3A_305 : memref<1024x32xf32, #tpu.memory_space<hbm>>)
      tpu.yield
    }) : () -> ()
    return
  }
}

</mosaic_0001>

<sc_bundles>
// kernel: kernel.3.cloned.1.call-start
scs
__scs_entry_jumppad:
0x0: {  	(pc) =	sbr.rel $0x88, $3  }
0x1: {  	(tag) =	ssettag $0x0;
	lr =	simm.s32 $0x1  }
0x2: {  	[smem:$0x3F9E] =	sst lr;
	_ =	strace $0xD0000000  }
0x3: {  	_ = 	snop  }
0x4: {  	_ = 	snop  }
0x5: {  	_ = 	snop  }
0x6: {  	_ = 	snop  }
0x7: {  	_ = 	snop  }
__scs_overlays_trampoline_lowered:
0x8: {  	[smem:$0x3FAD] =	sst s0  }
0x9: {  	[smem:$0x3FAE] =	sst s1  }
0xa: {  	[smem:$0x3FAF] =	sst s2  }
0xb: {  	[smem:$0x3FB0] =	sst s3  }
0xc: {  	[smem:$0x3FB1] =	sst s4  }
0xd: {  	[smem:$0x3FB2] =	sst s5  }
0xe: {  	[smem:$0x3FB3] =	sst s6  }
0xf: {  	[smem:$0x3FB4] =	sst s7  }
0x10: {  	[smem:$0x3FB5] =	sst s8  }
0x11: {  	[smem:$0x3FB6] =	sst s9;
	s0 =	simm.s32 @!p0 $0x0  }
0x12: {  	s1 =	sld [smem:$0x3F9C];
	s0 =	simm.s32 @p0 $0x1  }
0x13: {  	[smem:$0x3FB7] =	sst s0;
	s0 =	simm.s32 @!p1 $0x0  }
0x14: {  	s2 =	sld [smem:$0x3F9B];
	s0 =	simm.s32 @p1 $0x1  }
0x15: {  	[smem:$0x3FB8] =	sst s0;
	s0 =	simm.s32 @!p2 $0x0  }
0x16: {  	s3 =	sld [smem:$0x3FDB];
	s0 =	simm.s32 @p2 $0x1  }
0x17: {  	s4 =	simm.s32 $0x1BF5;
	[smem:$0x3FBA] =	sst s0  }
0x18: {  	s0 =	sld [smem:$0x3F9D];
	_ =	swait.ge [sflag:s4], $0x0  }
0x19: {  	s7 =	sld [smem:$0x3F9E]  }
0x1a: {  	s8 =	sadd.s32 $0xFFFFE003, lr  }
0x1b: {  	s9 =	sadd.s32 $0xFFFFFEF7, lr;
	s5 =	simm.s32 $0xFFFFFFFF;
	p2 =	slt.u32 s8, $0xFFFFF086  }
0x1c: {  	p1 =	slt.u32 s9, $0xF7A;
	s5 =	simm.s32 @!p2 $0x0  }
0x1d: {  	s5 =	simm.s32 @p1 $0x1;
	p0 =	seq.s32 s7, s2  }
0x1e: {  	s7 =	smul.u32 @!p0 $0xF7A, s2;
	p2 =	seq.s32 @!p0 s5, $0x0  }
0x1f: {  	s9 =	smul.u32 $0xF7A, s1;
	s8 =	simm.s32 @!p0 $0x1BF5;
	p2 =	por !p2, p0  }
0x20: {  	[sflag:s8] =	ssyncset.s32 @!p0 $0xFFFFF086;
	s6 =	sadd.s32 @!p0 s3, s7;
	s7 =	simm.s32 @!p0 $0x108  }
0x21: {  	s3 =	sadd.s32 s3, s9;
	s6 =	sadd.s32 @!p0 $0x88, s6;
	s7 =	simm.s32 @p2 $0x1082  }
0x22: {  	[simem:s7], [sflag:s8] =	dma.local @!p0 [hbm:s6], $0xF7A  }
0x23: {  	s9 =	sor.u32 $0xD0000000, s2;
	s6 =	simm.s32 $0x108;
	_ =	swait.ge @!p0 [sflag:s8], $0x0  }
0x24: {  	s3 =	sadd.s32 $0x88, s3;
	s6 =	simm.s32 @!p1 $0x1082;
	[sflag:s4] =	ssyncset.s32 $0xFFFFF086  }
0x25: {  	[simem:s6], [sflag:s4] =	dma.local [hbm:s3], $0xF7A  }
0x26: {  	[smem:$0x3F9E] =	sst s1;
	(tag) =	ssettag s2;
	_ =	strace s9  }
0x27: {  	s1 =	sld [smem:$0x3FAE]  }
0x28: {  	s2 =	sld [smem:$0x3FAF]  }
0x29: {  	s4 =	sld [smem:$0x3FB1]  }
0x2a: {  	p0 =	seq.s32 s5, $0x0;
	s5 =	sld [smem:$0x3FB2]  }
0x2b: {  	s6 =	sld [smem:$0x3FB3]  }
0x2c: {  	s7 =	sld [smem:$0x3FB4]  }
0x2d: {  	s3 =	simm.s32 $0x108;
	s8 =	sld [smem:$0x3FB5]  }
0x2e: {  	s3 =	simm.s32 @!p0 $0x1082;
	s9 =	sld [smem:$0x3FB6]  }
0x2f: {  	lr =	sadd.s32 s0, s3;
	s0 =	sld [smem:$0x3FAD]  }
0x30: {  	s3 =	sld [smem:$0x3FB0]  }
0x31: {  	[smem:$0x3FB9] =	sst s10  }
0x32: {  	s10 =	sld [smem:$0x3FB7];
	_ =	sdelay $0x3  }
0x33: {  	p0 =	seq.s32 s10, $0x1;
	s10 =	sld [smem:$0x3FB9];
	_ =	sdelay $0x3  }
0x34: {  	[smem:$0x3FB9] =	sst s10  }
0x35: {  	s10 =	sld [smem:$0x3FB8];
	_ =	sdelay $0x3  }
0x36: {  	p1 =	seq.s32 s10, $0x1;
	s10 =	sld [smem:$0x3FB9];
	_ =	sdelay $0x3  }
0x37: {  	[smem:$0x3FB9] =	sst s10  }
0x38: {  	s10 =	sld [smem:$0x3FBA]  }
0x39: {  	_ = 	snop;
	(pc) =	sbr.ind lr, $3  }
0x3a: {  	_ = 	snop  }
0x3b: {  	_ = 	snop  }
0x3c: {  	p2 =	seq.s32 s10, $0x1;
	s10 =	sld [smem:$0x3FB9]  }
0x3d: {  	_ =	shalt  }
0x3e: {  	_ =	shalt  }
0x3f: {  	_ =	shalt  }
0x40: {  	_ =	shalt  }
0x41: {  	_ =	shalt  }
0x42: {  	_ =	shalt  }
0x43: {  	_ =	shalt  }
0x44: {  	_ =	shalt  }
0x45: {  	_ =	shalt  }
0x46: {  	_ =	shalt  }
0x47: {  	_ =	shalt  }
0x48: {  	_ =	shalt  }
0x49: {  	_ =	shalt  }
0x4a: {  	_ =	shalt  }
0x4b: {  	_ =	shalt  }
0x4c: {  	_ =	shalt  }
0x4d: {  	_ =	shalt  }
0x4e: {  	_ =	shalt  }
0x4f: {  	_ =	shalt  }
0x50: {  	_ =	shalt  }
0x51: {  	_ =	shalt  }
0x52: {  	_ =	shalt  }
0x53: {  	_ =	shalt  }
0x54: {  	_ =	shalt  }
0x55: {  	_ =	shalt  }
0x56: {  	_ =	shalt  }
0x57: {  	_ =	shalt  }
0x58: {  	_ =	shalt  }
0x59: {  	_ =	shalt  }
0x5a: {  	_ =	shalt  }
0x5b: {  	_ =	shalt  }
0x5c: {  	_ =	shalt  }
0x5d: {  	_ =	shalt  }
0x5e: {  	_ =	shalt  }
0x5f: {  	_ =	shalt  }
0x60: {  	_ =	shalt  }
0x61: {  	_ =	shalt  }
0x62: {  	_ =	shalt  }
0x63: {  	_ =	shalt  }
0x64: {  	_ =	shalt  }
0x65: {  	_ =	shalt  }
0x66: {  	_ =	shalt  }
0x67: {  	_ =	shalt  }
0x68: {  	_ =	shalt  }
0x69: {  	_ =	shalt  }
0x6a: {  	_ =	shalt  }
0x6b: {  	_ =	shalt  }
0x6c: {  	_ =	shalt  }
0x6d: {  	_ =	shalt  }
0x6e: {  	_ =	shalt  }
0x6f: {  	_ =	shalt  }
0x70: {  	_ =	shalt  }
0x71: {  	_ =	shalt  }
0x72: {  	_ =	shalt  }
0x73: {  	_ =	shalt  }
0x74: {  	_ =	shalt  }
0x75: {  	_ =	shalt  }
0x76: {  	_ =	shalt  }
0x77: {  	_ =	shalt  }
0x78: {  	_ =	shalt  }
0x79: {  	_ =	shalt  }
0x7a: {  	_ =	shalt  }
0x7b: {  	_ =	shalt  }
0x7c: {  	_ =	shalt  }
0x7d: {  	_ =	shalt  }
0x7e: {  	_ =	shalt  }
0x7f: {  	_ =	shalt  }
0x80: {  	_ =	shalt  }
0x81: {  	_ =	shalt  }
0x82: {  	_ =	shalt  }
0x83: {  	_ =	shalt  }
0x84: {  	_ =	shalt  }
0x85: {  	_ =	shalt  }
0x86: {  	_ =	shalt  }
0x87: {  	_ =	shalt  }
.Lfunc_end0:
.L_simem_size_0:
called_computation_lowered:
.L_overlay_start_0:
0x88: {  	s2 =	sld [smem:$0x3FD9]  }
0x89: {  	s3 =	sld [smem:$0x3FFE];
	_ =	sdelay $0x1  }
0x8a: {  	s1 =	srdreg.scid  }
0x8b: {  	s0 =	sand.u32 $0x1, s1  }
0x8c: {  	s17 =	sshll.u32 s0, $0xA;
	s2 =	sadd.s32 s3, s2  }
0x8d: {  	s2 =	sadd.s32 s2, s17  }
0x8e: {  	[smem:$0x3FC5] =	sst s2  }
0x8f: {  	_ = 	snop  }
0x90: {  	s2 =	sld [smem:$0x3FD0];
	(tm) =	ssettm $0x1  }
0x91: {  	s18 =	sld [smem:$0x3FFB];
	_ =	sdelay $0x3  }
0x92: {  	_ =	strace s18  }
0x93: {  	s3 =	sld [smem:$0x3FFC];
	_ =	sdelay $0x3  }
0x94: {  	_ =	strace s3  }
0x95: {  	s3 =	sld [smem:$0x3FFD];
	_ =	sdelay $0x3  }
0x96: {  	_ =	strace s3  }
0x97: {  	_ =	strace $0x8FFFFFFF  }
0x98: {  	s19 =	sld [smem:$0x3FDB];
	_ =	sdelay $0x1  }
0x99: {  	s4 =	simm.s32 $_scs_section_size  }
0x9a: {  	s5 =	simm.s32 $_size__tile_overlayer_lowered;
	s6 =	simm.s32 $_tile_overlayer_lowered  }
0x9b: {  	s22 =	simm.s32 $0x1BFF;
	s21 =	sshll.u32 s6, $0x1;
	s3 =	sadd.s32 s4, s19  }
0x9c: {  	s7 =	simm.s32 $0x0;
	s20 =	sshll.u32 s5, $0x1;
	s5 =	sadd.s32 s21, s3  }
0x9d: {  	[timem:s7], [sflag:s22] =	dma.local [hbm:s5], s20  }
0x9e: {  	_ =	swait.ge [sflag:s22], s20  }
0x9f: {  	s4 =	ssub.s32 $0x0, s20;
	[sflag:s22] =	ssyncset.done $0x0  }
0xa0: {  	[sflag:s22] =	ssyncadd.s32 s4;
	_ =	sdelay $0x1  }
0xa1: {  	s23 =	simm.s32 $0x1B8B  }
0xa2: {  	_ =	swait.ge [sflag:s23], $0x1  }
0xa3: {  	[sflag:s23] =	ssyncset.done $0x0  }
0xa4: {  	s25 =	simm.s32 $0x1B8E;
	s24 =	sld [smem:$0x3FFE];
	[sflag:s23] =	ssyncadd.s32 $0xFFFFFFFF  }
0xa5: {  	s26 =	simm.s32 $execute0_lowered;
	[smem:$0x3FD2] =	sst s25  }
0xa6: {  	s5 =	sshll.u32 s26, $0x1;
	_ =	strace $0x80000046;
	[dreg:$0x1] =	wrdreg $0xFFFFFFFF  }
0xa7: {  	s28 =	simm.s32 $_size_execute0_lowered;
	s3 =	sadd.s32 s3, s5;
	[dreg:$0x0] =	wrdreg $0x0  }
0xa8: {  	s5 =	sshll.u32 s28, $0x1;
	[dreg:$0x2] =	wrdreg s3  }
0xa9: {  	[dreg:$0x3] =	wrdreg s5  }
0xaa: {  	[dreg:$0x4] =	wrdreg $0xC0  }
0xab: {  	_ =	task [dreg:s7], $0x5FFFF  }
0xac: {  	[dreg:$0x1] =	wrdreg $0xFFFFFFFF  }
0xad: {  	[dreg:$0x0] =	wrdreg $0x60  }
0xae: {  	[dreg:$0x2] =	wrdreg s24  }
0xaf: {  	[dreg:$0x3] =	wrdreg s2  }
0xb0: {  	[dreg:$0x4] =	wrdreg $0x9  }
0xb1: {  	_ =	task.clear_ibuf [dreg:s7], $0x5FFFF;
	_ =	strace $0x90000046  }
0xb2: {  	s29 =	simm.s32 $0x9;
	_ =	strace $0x80000048  }
0xb3: {  	_ =	swait.ge [sflag:s29], $0x1  }
0xb4: {  	[sflag:s29] =	ssyncadd.s32 $0xFFFFFFFF  }
0xb5: {  	_ =	strace $0x90000048  }
0xb6: {  	_ =	sfence  }
0xb7: {  	s30 =	sld [smem:$0x0];
	_ =	sdelay $0x2  }
0xb8: {  	s31 =	sshll.u32 s1, $0xD;
	s1 =	sshrl.u32 s1, $0x2  }
0xb9: {  	s3 =	sand.u32 $0x4000, s31;
	s1 =	sadd.s32 s1, s30  }
0xba: {  	s0 =	sor.u32 s3, s0;
	s1 =	sshll.u32 s1, $0x11  }
0xbb: {  	s0 =	sor.u32 s1, s0  }
0xbc: {  	s0 =	sadd.s32 $0x8F2B, s0  }
0xbd: {  	[sflag:s0] =	ssyncadd.remote.s32 $0x1  }
0xbe: {  	_ =	sfence.sel $0xFFFF  }
0xbf: {  	[dreg:$0x0] =	wrdreg $0xFFFFFFFF;
	(pc) =	sbr.abs _section_cstart, $3  }
0xc0: {  	[dreg:$0x1] =	wrdreg $0xFFFFFFFF  }
0xc1: {  	_ =	task.clear_ibuf [dreg:s7], $0x2FFFF;
	_ =	strace $0x9FFFFFFF  }
0xc2: {  	(tm) =	ssettm $0x7FFFFFFF  }
0xc3: {  	_ =	shalt  }
tec
execute0_lowered:
.L_overlay_start_1:
0x0: {  	(tag) =	ssettag $0x1  }
0x1: {  	s0 =	rddreg [dreg:$0x0]  }
0x2: {  	s1 =	rddreg [dreg:$0x1]  }
0x3: {  	s3 =	srdreg.scid;
	s4 =	stileid.u32  }
0x4: {  	s2 =	simm.s32 $0x0;
	s10 =	simm.s32 $0x3;
	s11 =	simm.s32 $0x8800  }
0x5: {  	s12 =	simm.s32 $0x80;
	s13 =	simm.s32 $0x800;
	s14 =	simm.s32 $0x1800  }
0x6: {  	s16 =	simm.s32 $0x2800;
	s18 =	simm.s32 $0x3800;
	s20 =	simm.s32 $0x4800  }
0x7: {  	s22 =	simm.s32 $0x5800;
	s24 =	simm.s32 $0x6800;
	s26 =	simm.s32 $0x7800  }
0x8: {  	s28 =	simm.s32 $0x1;
	s29 =	simm.s32 $0x2;
	s15 =	simm.s32 $0x600  }
0x9: {  	s17 =	simm.s32 $0x680;
	s19 =	simm.s32 $0x700;
	s21 =	simm.s32 $0x780  }
0xa: {  	s3 =	sand.u32 $0x1, s3;
	s4 =	sshll.u32 s4, $0x1;
	[smem:$0x7FF] =	sst s2  }
0xb: {  	s23 =	simm.s32 $0x0;
	s5 =	sor.u32 s3, s4;
	_ =	strace $0x80000047  }
0xc: {  	s6 =	ssub.s32 $0x2, s3;
	s3 =	sadd.s32 $0xF42C00, s0;
	s4 =	sshll.u32 s5, $0x8  }
0xd: {  	s8 =	sshrl.u32 s6, $0x1;
	s31 =	sshll.u32 s5, $0xD;
	s7 =	sadd.s32 s4, s0  }
0xe: {  	s4 =	sadd.s32 $0x800, s0;
	s9 =	ssub.s32 s6, s8;
	s6 =	sadd.s32 s1, s31  }
0xf: {  	s1 =	simm.s32 $0x580;
	s5 =	sadd.s32 $0x2800, s7;
	s7 =	sadd.s32 $0x1800, s0  }
0x10: {  	s8 =	sadd.s32 $0x1000, s6;
	s9 =	smax.u32 s9, $0x1;
	s0 =	simm.s32 $0x500  }
.LBB2_1:
0x11: {  	[tilespmem:s2], [sflag:$0x3] =	stream.linear.gather [hbm4b:s5+s2], $0x800, $0x38;
	[tilespmem:$0x10800] =	vst v63  }
0x12: {  	_ =	swait.ge [sflag:s10], $0x800  }
0x13: {  	[sflag:s10] =	ssyncset.done $0x0  }
0x14: {  	[sflag:s10] =	ssyncadd.s32 $0xFFFFF800  }
0x15: {  	[tilespmem:s11], [sflag:$0x2] =	stream.linear.gather [hbm4b:s4+s2], $0x8000, $0x38;
	[tilespmem:$0x10800] =	vst v63  }
0x16: {  	_ = 	snop  }
0x17: {  	[tilespmem:s13], [sflag:$0x1] =	stream.indirect.gather [hbm4b:s3+s12], $0x20, s2, s12, $0xb8;
	[tilespmem:$0x10800] =	vst v63  }
0x18: {  	_ = 	snop  }
0x19: {  	[tilespmem:s14], [sflag:$0x1] =	stream.indirect.gather [hbm4b:s3+s12], $0x20, s12, s12, $0xb8;
	[tilespmem:$0x10800] =	vst v63  }
0x1a: {  	s25 =	simm.s32 $0x100  }
0x1b: {  	[tilespmem:s16], [sflag:$0x1] =	stream.indirect.gather [hbm4b:s3+s12], $0x20, s25, s12, $0xb8;
	[tilespmem:$0x10800] =	vst v63  }
0x1c: {  	s31 =	simm.s32 $0x180  }
0x1d: {  	[tilespmem:s18], [sflag:$0x1] =	stream.indirect.gather [hbm4b:s3+s12], $0x20, s31, s12, $0xb8;
	[tilespmem:$0x10800] =	vst v63  }
0x1e: {  	s31 =	simm.s32 $0x200  }
0x1f: {  	[tilespmem:s20], [sflag:$0x1] =	stream.indirect.gather [hbm4b:s3+s12], $0x20, s31, s12, $0xb8;
	[tilespmem:$0x10800] =	vst v63  }
0x20: {  	s31 =	simm.s32 $0x280  }
0x21: {  	[tilespmem:s22], [sflag:$0x1] =	stream.indirect.gather [hbm4b:s3+s12], $0x20, s31, s12, $0xb8;
	[tilespmem:$0x10800] =	vst v63  }
0x22: {  	s31 =	simm.s32 $0x300  }
0x23: {  	[tilespmem:s24], [sflag:$0x1] =	stream.indirect.gather [hbm4b:s3+s12], $0x20, s31, s12, $0xb8;
	[tilespmem:$0x10800] =	vst v63  }
0x24: {  	s31 =	simm.s32 $0x380  }
0x25: {  	[tilespmem:s26], [sflag:$0x1] =	stream.indirect.gather [hbm4b:s3+s12], $0x20, s31, s12, $0xb8;
	[tilespmem:$0x10800] =	vst v63  }
0x26: {  	_ =	swait.ge [sflag:s28], $0x1000  }
0x27: {  	[sflag:s28] =	ssyncset.done $0x0  }
0x28: {  	[sflag:s28] =	ssyncadd.s32 $0xFFFFF000  }
0x29: {  	_ =	swait.ge [sflag:s28], $0x1000  }
0x2a: {  	[sflag:s28] =	ssyncset.done $0x0  }
0x2b: {  	[sflag:s28] =	ssyncadd.s32 $0xFFFFF000  }
0x2c: {  	_ =	swait.ge [sflag:s28], $0x1000  }
0x2d: {  	[sflag:s28] =	ssyncset.done $0x0  }
0x2e: {  	[sflag:s28] =	ssyncadd.s32 $0xFFFFF000  }
0x2f: {  	_ =	swait.ge [sflag:s28], $0x1000  }
0x30: {  	[sflag:s28] =	ssyncset.done $0x0  }
0x31: {  	[sflag:s28] =	ssyncadd.s32 $0xFFFFF000  }
0x32: {  	_ =	swait.ge [sflag:s28], $0x1000  }
0x33: {  	[sflag:s28] =	ssyncset.done $0x0  }
0x34: {  	[sflag:s28] =	ssyncadd.s32 $0xFFFFF000  }
0x35: {  	_ =	swait.ge [sflag:s28], $0x1000  }
0x36: {  	[sflag:s28] =	ssyncset.done $0x0  }
0x37: {  	[sflag:s28] =	ssyncadd.s32 $0xFFFFF000  }
0x38: {  	_ =	swait.ge [sflag:s28], $0x1000  }
0x39: {  	[sflag:s28] =	ssyncset.done $0x0  }
0x3a: {  	[sflag:s28] =	ssyncadd.s32 $0xFFFFF000  }
0x3b: {  	_ =	swait.ge [sflag:s28], $0x1000  }
0x3c: {  	[sflag:s28] =	ssyncset.done $0x0  }
0x3d: {  	[sflag:s28] =	ssyncadd.s32 $0xFFFFF000  }
0x3e: {  	_ =	swait.ge [sflag:s29], $0x8000  }
0x3f: {  	[sflag:s29] =	ssyncset.done $0x0  }
0x40: {  	s25 =	simm.s32 $0x0;
	[sflag:s29] =	ssyncadd.s32 $0xFFFF8000  }
0x41: {  	v0 =	vld [tilespmem:s25+$0x8810];
	_ =	sdelay $0x1  }
0x42: {  	s30 =	simm.s32 $0x80;
	v1 =	vld [tilespmem:s25+$0x8800]  }
.LBB2_2:
0x43: {  	p0 =	sne.s32 s30, $0x1FF80  }
.Ltmp0:
0x44: {  	_ = 	snop;
	(pc) =	sbr.rel @p0 .LBB2_2-.Ltmp0, $4  }
0x45: {  	s31 =	sshra.s32 s30, $0x2;
	[tilespmem:s25+$0x810] =	vst.add.f32.msk $0xffff, v0  }
0x46: {  	v0 =	vld [tilespmem:s31+$0x8810]  }
0x47: {  	v2 =	vmov v1;
	v1 =	vld [tilespmem:s31+$0x8800]  }
0x48: {  	s30 =	sadd.s32 $0x80, s30;
	[tilespmem:s25+$0x800] =	vst.add.f32.msk $0xffff, v2;
	s25 =	smov.u32 s31  }
0x49: {  	_ =	sdelay $0x1  }
0x4a: {  	[tilespmem:s25+$0x810] =	vst.add.f32.msk $0xffff, v0  }
0x4b: {  	s31 =	simm.s32 $0x0;
	[tilespmem:s25+$0x800] =	vst.add.f32.msk $0xffff, v1  }
0x4c: {  	[hbm4b:s6+s31] =	stream.linear.scatter [tilespmem:s13], [sflag:$0x3], $0x8000, $0x38;
	[tilespmem:$0x10800] =	vst v63  }
0x4d: {  	_ =	swait.ge [sflag:s10], $0x8000  }
0x4e: {  	[sflag:s10] =	ssyncset.done $0x0  }
0x4f: {  	[sflag:s10] =	ssyncadd.s32 $0xFFFF8000  }
0x50: {  	[tilespmem:s11], [sflag:$0x2] =	stream.linear.gather [hbm4b:s7+s31], $0x8000, $0x38;
	[tilespmem:$0x10800] =	vst v63  }
0x51: {  	s31 =	simm.s32 $0x400  }
0x52: {  	[tilespmem:s13], [sflag:$0x1] =	stream.indirect.gather [hbm4b:s3+s12], $0x20, s31, s12, $0xb8;
	[tilespmem:$0x10800] =	vst v63  }
0x53: {  	s31 =	simm.s32 $0x480  }
0x54: {  	[tilespmem:s14], [sflag:$0x1] =	stream.indirect.gather [hbm4b:s3+s12], $0x20, s31, s12, $0xb8;
	[tilespmem:$0x10800] =	vst v63  }
0x55: {  	_ = 	snop  }
0x56: {  	[tilespmem:s16], [sflag:$0x1] =	stream.indirect.gather [hbm4b:s3+s12], $0x20, s0, s12, $0xb8;
	[tilespmem:$0x10800] =	vst v63  }
0x57: {  	_ = 	snop  }
0x58: {  	[tilespmem:s18], [sflag:$0x1] =	stream.indirect.gather [hbm4b:s3+s12], $0x20, s1, s12, $0xb8;
	[tilespmem:$0x10800] =	vst v63  }
0x59: {  	_ = 	snop  }
0x5a: {  	[tilespmem:s20], [sflag:$0x1] =	stream.indirect.gather [hbm4b:s3+s12], $0x20, s15, s12, $0xb8;
	[tilespmem:$0x10800] =	vst v63  }
0x5b: {  	_ = 	snop  }
0x5c: {  	[tilespmem:s22], [sflag:$0x1] =	stream.indirect.gather [hbm4b:s3+s12], $0x20, s17, s12, $0xb8;
	[tilespmem:$0x10800] =	vst v63  }
0x5d: {  	_ = 	snop  }
0x5e: {  	[tilespmem:s24], [sflag:$0x1] =	stream.indirect.gather [hbm4b:s3+s12], $0x20, s19, s12, $0xb8;
	[tilespmem:$0x10800] =	vst v63  }
0x5f: {  	_ = 	snop  }
0x60: {  	[tilespmem:s26], [sflag:$0x1] =	stream.indirect.gather [hbm4b:s3+s12], $0x20, s21, s12, $0xb8;
	[tilespmem:$0x10800] =	vst v63  }
0x61: {  	_ =	swait.ge [sflag:s28], $0x1000  }
0x62: {  	[sflag:s28] =	ssyncset.done $0x0  }
0x63: {  	[sflag:s28] =	ssyncadd.s32 $0xFFFFF000  }
0x64: {  	_ =	swait.ge [sflag:s28], $0x1000  }
0x65: {  	[sflag:s28] =	ssyncset.done $0x0  }
0x66: {  	[sflag:s28] =	ssyncadd.s32 $0xFFFFF000  }
0x67: {  	_ =	swait.ge [sflag:s28], $0x1000  }
0x68: {  	[sflag:s28] =	ssyncset.done $0x0  }
0x69: {  	[sflag:s28] =	ssyncadd.s32 $0xFFFFF000  }
0x6a: {  	_ =	swait.ge [sflag:s28], $0x1000  }
0x6b: {  	[sflag:s28] =	ssyncset.done $0x0  }
0x6c: {  	[sflag:s28] =	ssyncadd.s32 $0xFFFFF000  }
0x6d: {  	_ =	swait.ge [sflag:s28], $0x1000  }
0x6e: {  	[sflag:s28] =	ssyncset.done $0x0  }
0x6f: {  	[sflag:s28] =	ssyncadd.s32 $0xFFFFF000  }
0x70: {  	_ =	swait.ge [sflag:s28], $0x1000  }
0x71: {  	[sflag:s28] =	ssyncset.done $0x0  }
0x72: {  	[sflag:s28] =	ssyncadd.s32 $0xFFFFF000  }
0x73: {  	_ =	swait.ge [sflag:s28], $0x1000  }
0x74: {  	[sflag:s28] =	ssyncset.done $0x0  }
0x75: {  	[sflag:s28] =	ssyncadd.s32 $0xFFFFF000  }
0x76: {  	_ =	swait.ge [sflag:s28], $0x1000  }
0x77: {  	[sflag:s28] =	ssyncset.done $0x0  }
0x78: {  	[sflag:s28] =	ssyncadd.s32 $0xFFFFF000  }
0x79: {  	_ =	swait.ge [sflag:s29], $0x8000  }
0x7a: {  	[sflag:s29] =	ssyncset.done $0x0  }
0x7b: {  	s25 =	simm.s32 $0x0;
	[sflag:s29] =	ssyncadd.s32 $0xFFFF8000  }
0x7c: {  	v0 =	vld [tilespmem:s25+$0x8810];
	_ =	sdelay $0x1  }
0x7d: {  	s30 =	simm.s32 $0x80;
	v1 =	vld [tilespmem:s25+$0x8800]  }
.LBB2_4:
0x7e: {  	p0 =	sne.s32 s30, $0x1FF80  }
.Ltmp1:
0x7f: {  	_ = 	snop;
	(pc) =	sbr.rel @p0 .LBB2_4-.Ltmp1, $4  }
0x80: {  	s31 =	sshra.s32 s30, $0x2;
	[tilespmem:s25+$0x810] =	vst.add.f32.msk $0xffff, v0  }
0x81: {  	v0 =	vld [tilespmem:s31+$0x8810]  }
0x82: {  	v2 =	vmov v1;
	v1 =	vld [tilespmem:s31+$0x8800]  }
0x83: {  	s30 =	sadd.s32 $0x80, s30;
	[tilespmem:s25+$0x800] =	vst.add.f32.msk $0xffff, v2;
	s25 =	smov.u32 s31  }
0x84: {  	_ = 	snop  }
0x85: {  	s23 =	sadd.s32 $0x1, s23  }
0x86: {  	p0 =	sne.s32 s23, s9;
	[tilespmem:s25+$0x810] =	vst.add.f32.msk $0xffff, v0  }
.Ltmp2:
0x87: {  	[tilespmem:s25+$0x800] =	vst.add.f32.msk $0xffff, v1;
	(pc) =	sbr.rel @p0 .LBB2_1-.Ltmp2, $4  }
0x88: {  	[hbm4b:s8+s2] =	stream.linear.scatter [tilespmem:s13], [sflag:$0x3], $0x8000, $0x38;
	[tilespmem:$0x10800] =	vst v63  }
0x89: {  	_ =	swait.ge [sflag:s10], $0x8000  }
0x8a: {  	[sflag:s10] =	ssyncset.done $0x0  }
0x8b: {  	[sflag:s10] =	ssyncadd.s32 $0xFFFF8000  }
0x8c: {  	_ =	sfence.sel $0x180000  }
0x8d: {  	[bflag:$0x0] =	sbarrier.arrive $0xFFFF  }
0x8e: {  	_ =	strace $0x90000047  }
0x8f: {  	s0 =	stileid.u32;
	[bflag:$0x2] =	sbarrier.arrive $0xFFFF  }
0x90: {  	p0 =	sne.s32 s0, $0x0;
	s0 =	rddreg [dreg:$0x2]  }
0x91: {  	s0 =	sadd.s32 @!p0 $0x100000, s0  }
0x92: {  	[sflag:s0] =	ssyncadd.tile.s32 @!p0 $0x1;
	_ =	shalt  }
.Lfunc_end2:
_tile_overlayer_lowered:
.L_overlay_start_2:
0x93: {  	(tag) =	ssettag $0x2  }
0x94: {  	s0 =	rddreg [dreg:$0x0];
	s2 =	stileid.u32  }
0x95: {  	s1 =	rddreg [dreg:$0x1];
	p0 =	sne.s32 s2, $0x0  }
0x96: {  	s3 =	rddreg [dreg:$0x2];
	[bflag:$0x3] =	sbarrier.arrive $0xFFFF;
	s2 =	simm.s32 @!p0 $0x1C03  }
0x97: {  	[timem:s3], [sflag:s2] =	dma.local @!p0 [hbm:s0], s1  }
0x98: {  	s0 =	simm.s32 @!p0 $0x3  }
0x99: {  	_ =	swait.ge @!p0 [sflag:s0], s1  }
0x9a: {  	s1 =	ssub.s32 @!p0 $0x0, s1;
	[sflag:s0] =	ssyncset.done @!p0 $0x0  }
0x9b: {  	[sflag:s0] =	ssyncadd.s32 @!p0 s1  }
0x9c: {  	[bflag:$0x3] =	sbarrier.arrive $0xFFFF  }
0x9d: {  	_ =	shalt  }

</sc_bundles>
